<compile_context>
chip_gen: v7x
topology: tpu7x:2x2x1
jax: 0.10.2.dev20260603
libtpu: 0.0.44.dev20260713+nightly
codegen_flags: <defaults>
</compile_context>

<pallas_src>
import functools

import jax
import jax.numpy as jnp
from jax import lax
from jax.experimental import pallas as pl
from jax.experimental.pallas import tpu as pltpu
from jax.experimental.pallas import tpu_sc as plsc

N = 10000
E = 320000
D_IN = 128
D_H = 64
D_OUT = 32

NC = 2
NS = 16
W = 128
KW = 80
EP = NC * NS * KW * W
NP = 10240
RPT = NP // NS

_MESH = plsc.VectorSubcoreMesh(core_axis_name="c", subcore_axis_name="s")
_SC_PARAMS = pltpu.CompilerParams(use_tc_tiling_on_sc=False)


def _sc_degree(dstw, ones1, zeros1):

    @functools.partial(
        pl.kernel,
        out_type=jax.ShapeDtypeStruct((NP, 128), jnp.float32),
        mesh=_MESH,
        compiler_params=_SC_PARAMS,
        scratch_types=[
            pltpu.VMEM((KW, W), jnp.int32),
            pltpu.VMEM((W, 16), jnp.float32),
            pltpu.VMEM_SHARED((NP, 16), jnp.float32),
        ],
    )
    def k(dst_hbm, ones_hbm, z_hbm, out_hbm, dst_v, ones_v, acc):
        cid = lax.axis_index("c")
        sid = lax.axis_index("s")
        base = sid * RPT
        pltpu.sync_copy(z_hbm.at[pl.ds(base, RPT)], acc.at[pl.ds(base, RPT)])
        pltpu.sync_copy(ones_hbm, ones_v)
        pltpu.sync_copy(dst_hbm.at[cid].at[sid], dst_v)
        plsc.subcore_barrier()

        @pl.loop(0, KW)
        def _(t):
            pltpu.sync_copy(ones_v, acc.at[dst_v.at[t]], add=True)

        plsc.subcore_barrier()
        pltpu.sync_copy(acc.at[pl.ds(base, RPT)],
                        out_hbm.at[pl.ds(base, RPT), pl.ds(cid * 16, 16)])

    return k(dstw, ones1, zeros1)


KWF = EP // (NS * W)


def _sc_segment_sum(a1, srcw, dstw, zeros64):

    @functools.partial(
        pl.kernel,
        out_type=jax.ShapeDtypeStruct((NP, 128), jnp.float32),
        mesh=_MESH,
        compiler_params=_SC_PARAMS,
        scratch_types=[
            pltpu.VMEM((KW, W), jnp.int32),
            pltpu.VMEM((KW, W), jnp.int32),
            pltpu.VMEM((W, D_H), jnp.float32),
            pltpu.VMEM((W, D_H), jnp.float32),
            pltpu.VMEM_SHARED((NP, D_H), jnp.float32),
            pltpu.VMEM_SHARED((N, D_H), jnp.float32),
            pltpu.SemaphoreType.DMA,
            pltpu.SemaphoreType.DMA,
        ],
    )
    def k(a_hbm, src_hbm, dst_hbm, z_hbm, out_hbm,
          src_v, dst_v, rows0, rows1, acc, y_sh, sem0, sem1):
        cid = lax.axis_index("c")
        sid = lax.axis_index("s")
        base = sid * RPT
        ybase = sid * (N // NS)
        pltpu.sync_copy(a_hbm.at[pl.ds(ybase, N // NS), pl.ds(0, D_H)],
                        y_sh.at[pl.ds(ybase, N // NS)])
        pltpu.sync_copy(z_hbm.at[pl.ds(base, RPT)], acc.at[pl.ds(base, RPT)])
        pltpu.sync_copy(src_hbm.at[cid].at[sid], src_v)
        pltpu.sync_copy(dst_hbm.at[cid].at[sid], dst_v)
        plsc.subcore_barrier()

        pltpu.async_copy(y_sh.at[src_v.at[0]], rows0, sem0)

        @pl.loop(0, KW, step=2)
        def _(t):
            pltpu.make_async_copy(y_sh.at[src_v.at[t]], rows0, sem0).wait()
            pltpu.async_copy(y_sh.at[src_v.at[t + 1]], rows1, sem1)
            pltpu.sync_copy(rows0, acc.at[dst_v.at[t]], add=True)
            pltpu.make_async_copy(y_sh.at[src_v.at[t + 1]], rows1, sem1).wait()

            @pl.when(t + 2 < KW)
            def _():
                pltpu.async_copy(y_sh.at[src_v.at[t + 2]], rows0, sem0)

            pltpu.sync_copy(rows1, acc.at[dst_v.at[t + 1]], add=True)

        plsc.subcore_barrier()
        pltpu.sync_copy(acc.at[pl.ds(base, RPT)],
                        out_hbm.at[pl.ds(base, RPT), pl.ds(cid * D_H, D_H)])

    return k(a1, srcw, dstw, zeros64)


def _sc_segment_out(y2, srcw2, dstw2, zeros32, d16, b2):

    @functools.partial(
        pl.kernel,
        out_type=(jax.ShapeDtypeStruct((N, D_OUT), jnp.float32),
                  jax.ShapeDtypeStruct((N, D_OUT), jnp.float32)),
        mesh=_MESH,
        compiler_params=_SC_PARAMS,
        scratch_types=[
            pltpu.VMEM((KWF, W), jnp.int32),
            pltpu.VMEM((KWF, W), jnp.int32),
            pltpu.VMEM((W, D_OUT), jnp.float32),
            pltpu.VMEM((W, D_OUT), jnp.float32),
            pltpu.VMEM((W, D_OUT), jnp.float32),
            pltpu.VMEM((W, D_OUT), jnp.float32),
            pltpu.VMEM((W, 16), jnp.float32),
            pltpu.VMEM((D_OUT,), jnp.float32),
            pltpu.VMEM_SHARED((NP, D_OUT), jnp.float32),
            pltpu.VMEM_SHARED((NP, D_OUT), jnp.float32),
            pltpu.SemaphoreType.DMA,
            pltpu.SemaphoreType.DMA,
        ],
    )
    def k(y_hbm, src_hbm, dst_hbm, z_hbm, d16_hbm, b_hbm, mu_hbm, ls_hbm,
          src_v, dst_v, rows0, rows1, acc_v, y_v, d_v, b_v,
          acc, y_sh, sem0, sem1):
        cid = lax.axis_index("c")
        sid = lax.axis_index("s")
        base = sid * RPT
        ybase = sid * (N // NS)
        pltpu.sync_copy(
            y_hbm.at[pl.ds(ybase, N // NS), pl.ds(cid * D_OUT, D_OUT)],
            y_sh.at[pl.ds(ybase, N // NS)])
        pltpu.sync_copy(z_hbm.at[pl.ds(base, RPT)], acc.at[pl.ds(base, RPT)])
        pltpu.sync_copy(src_hbm.at[sid], src_v)
        pltpu.sync_copy(dst_hbm.at[sid], dst_v)
        pltpu.sync_copy(b_hbm.at[cid], b_v)
        plsc.subcore_barrier()

        pltpu.async_copy(y_sh.at[src_v.at[0]], rows0, sem0)

        @pl.loop(0, KWF, step=2)
        def _(t):
            pltpu.make_async_copy(y_sh.at[src_v.at[t]], rows0, sem0).wait()
            pltpu.async_copy(y_sh.at[src_v.at[t + 1]], rows1, sem1)
            pltpu.sync_copy(rows0, acc.at[dst_v.at[t]], add=True)
            pltpu.make_async_copy(y_sh.at[src_v.at[t + 1]], rows1, sem1).wait()

            @pl.when(t + 2 < KWF)
            def _():
                pltpu.async_copy(y_sh.at[src_v.at[t + 2]], rows0, sem0)

            pltpu.sync_copy(rows1, acc.at[dst_v.at[t + 1]], add=True)

        plsc.subcore_barrier()

        bv0 = b_v[pl.ds(0, 16)]
        bv1 = b_v[pl.ds(16, 16)]

        NR = N % W

        @pl.loop(0, RPT, step=W)
        def _(rb):
            row = base + rb
            pltpu.sync_copy(acc.at[pl.ds(row, W)], acc_v)
            pltpu.sync_copy(y_sh.at[pl.ds(row, W)], y_v)
            pltpu.sync_copy(
                d16_hbm.at[pl.ds(row, W), pl.ds(D_H, 16)], d_v)

            @pl.loop(0, W)
            def _(r):
                dv = d_v[r]
                a0 = acc_v[r, pl.ds(0, 16)]
                y0 = y_v[r, pl.ds(0, 16)]
                acc_v[r, pl.ds(0, 16)] = dv * (a0 + y0) + bv0
                a1 = acc_v[r, pl.ds(16, 16)]
                y1 = y_v[r, pl.ds(16, 16)]
                acc_v[r, pl.ds(16, 16)] = dv * (a1 + y1) + bv1

            @pl.when(jnp.logical_and(row + W <= N, cid == 0))
            def _():
                pltpu.sync_copy(acc_v, mu_hbm.at[pl.ds(row, W)])

            @pl.when(jnp.logical_and(row + W <= N, cid == 1))
            def _():
                pltpu.sync_copy(acc_v, ls_hbm.at[pl.ds(row, W)])

            @pl.when(jnp.logical_and(row < N, row + W > N))
            def _():
                @pl.when(cid == 0)
                def _():
                    pltpu.sync_copy(acc_v.at[pl.ds(0, NR)],
                                    mu_hbm.at[pl.ds(row, NR)])

                @pl.when(cid == 1)
                def _():
                    pltpu.sync_copy(acc_v.at[pl.ds(0, NR)],
                                    ls_hbm.at[pl.ds(row, NR)])

    return k(y2, srcw2, dstw2, zeros32, d16, b2)


def _tc_layer1(cnt, x, W1):
    def body(c_ref, x_ref, w_ref, a_ref):
        c = c_ref[:, 0:1] + c_ref[:, 16:17]
        d_full = lax.rsqrt(c + 1.0)
        u = jax.lax.dot_general(
            x_ref[...], w_ref[...], (((1,), (0,)), ((), ())),
            preferred_element_type=jnp.float32,
            precision=lax.Precision.HIGHEST)
        y1 = u * d_full[:N]
        a_ref[:N, :D_H] = y1
        a_ref[N:, :D_H] = jnp.zeros((NP - N, D_H), jnp.float32)
        a_ref[:, D_H:D_H + 16] = jnp.broadcast_to(d_full, (NP, 16))
        a_ref[:, D_H + 16:] = jnp.zeros((NP, 48), jnp.float32)

    return pl.pallas_call(
        body,
        out_shape=jax.ShapeDtypeStruct((NP, 128), jnp.float32),
    )(cnt, x, W1)


def _tc_layer2(parts1, a1, Wcat, b1):
    def body(p_ref, a_ref, w_ref, b_ref, o_ref):
        s1 = p_ref[:N, :D_H] + p_ref[:N, D_H:]
        d = a_ref[:N, D_H:D_H + 1]
        y1 = a_ref[:N, :D_H]
        h = jnp.maximum(d * (s1 + y1) + b_ref[...], 0.0)
        y2 = jax.lax.dot_general(
            h, w_ref[...], (((1,), (0,)), ((), ())),
            preferred_element_type=jnp.float32,
            precision=lax.Precision.HIGHEST) * d
        o_ref[:N, :D_H] = y2
        o_ref[N:, :D_H] = jnp.zeros((NP - N, D_H), jnp.float32)
        o_ref[:, D_H:] = jnp.zeros((NP, D_H), jnp.float32)

    return pl.pallas_call(
        body,
        out_shape=jax.ShapeDtypeStruct((NP, 128), jnp.float32),
    )(parts1, a1, Wcat, b1)


def kernel(x, edge_index, W1, b1, Wmu, bmu, Wls, bls):
    src = edge_index[0]
    dst = edge_index[1]
    pad = EP - E
    pad_dst = N + (jnp.arange(pad, dtype=jnp.int32) % (NP - N))
    src_p = jnp.concatenate([src, jnp.zeros((pad,), jnp.int32)])
    dst_p = jnp.concatenate([dst, pad_dst])
    srcw = src_p.reshape(NC, NS, KW, W)
    dstw = dst_p.reshape(NC, NS, KW, W)
    srcw2 = src_p.reshape(NS, KWF, W)
    dstw2 = dst_p.reshape(NS, KWF, W)
    zeros1 = jnp.zeros((NP, 16), jnp.float32)
    zeros64 = jnp.zeros((NP, D_H), jnp.float32)
    zeros32 = jnp.zeros((NP, D_OUT), jnp.float32)
    ones1 = jnp.zeros((W, 16), jnp.float32).at[:, 0].set(1.0)

    cnt = _sc_degree(dstw, ones1, zeros1)
    a1 = _tc_layer1(cnt, x, W1)
    parts1 = _sc_segment_sum(a1, srcw, dstw, zeros64)
    Wcat = jnp.concatenate([Wmu, Wls], axis=1)
    y2 = _tc_layer2(parts1, a1, Wcat, b1.reshape(1, D_H))
    mu, logstd = _sc_segment_out(y2, srcw2, dstw2, zeros32, a1,
                                 jnp.stack([bmu, bls]))
    return (mu, logstd)

# --- scband reference (transcript-rebuilt; emitter-appended) ---
"""Pipeline reference for scband-gcnencoder-69329362092400 (READ-ONLY COPY).

The authoritative reference and input builder live on the scoring server;
editing this copy changes nothing except your own understanding.
"""

import jax, jax.numpy as jnp
import numpy as np

N = 10000
E = 320000
D_IN = 128
D_H = 64
D_OUT = 32


def _glorot_like(key, fan_in, fan_out):
    s = 1.0 / np.sqrt(fan_in)
    return jax.random.uniform(key, (fan_in, fan_out), jnp.float32, minval=-s, maxval=s)


def setup_inputs(seed: int = 0) -> dict:
    key = jax.random.key(seed)
    ks = jax.random.split(key, 8)
    x = jax.random.normal(ks[0], (N, D_IN), dtype=jnp.float32)
    edge_index = jax.random.randint(ks[1], (2, E), 0, N, dtype=jnp.int32)
    W1 = _glorot_like(ks[2], D_IN, D_H)
    b1 = jnp.zeros((D_H,), jnp.float32)
    Wmu = _glorot_like(ks[3], D_H, D_OUT)
    bmu = jnp.zeros((D_OUT,), jnp.float32)
    Wls = _glorot_like(ks[4], D_H, D_OUT)
    bls = jnp.zeros((D_OUT,), jnp.float32)
    return {"x": x, "edge_index": edge_index, "W1": W1, "b1": b1, "Wmu": Wmu, "bmu": bmu, "Wls": Wls, "bls": bls}


def _gcn_conv(x, src, dst, norm, W, b):
    # GCNConv: x' = D^{-1/2} (A + I) D^{-1/2} (x W) + b
    h = x @ W
    msgs = jnp.take(h, src, axis=0) * norm[:, None]
    out = jax.ops.segment_sum(msgs, dst, num_segments=N)
    return out + b


def reference(x, edge_index, W1, b1, Wmu, bmu, Wls, bls):
    loop = jnp.arange(N, dtype=edge_index.dtype)
    src = jnp.concatenate([edge_index[0], loop])
    dst = jnp.concatenate([edge_index[1], loop])
    deg = jax.ops.segment_sum(jnp.ones_like(src, dtype=x.dtype), dst, num_segments=N)
    d_inv_sqrt = jnp.where(deg > 0, jax.lax.rsqrt(jnp.maximum(deg, 1e-12)), 0.0)
    norm = jnp.take(d_inv_sqrt, src) * jnp.take(d_inv_sqrt, dst)
    h = jax.nn.relu(_gcn_conv(x, src, dst, norm, W1, b1))
    mu = _gcn_conv(h, src, dst, norm, Wmu, bmu)
    logstd = _gcn_conv(h, src, dst, norm, Wls, bls)
    return (mu, logstd)

if __name__ == "__main__":
    import jax
    _d = setup_inputs()
    print(jax.jit(kernel)(*tuple(_d.values())))

</pallas_src>

<mosaic_0001>
#map = affine_map<(d0, d1) -> (0, 0, 0, 0)>
#map1 = affine_map<(d0, d1) -> (0, 0)>
module attributes {stable_mosaic.version = 14 : i64} {
  func.func @k(%arg0: i32, %arg1: i32, %arg2: memref<2x16x80x128xi32, #tpu.memory_space<hbm>>, %arg3: memref<128x16xf32, #tpu.memory_space<hbm>>, %arg4: memref<10240x16xf32, #tpu.memory_space<hbm>>, %arg5: memref<10240x128xf32, #tpu.memory_space<hbm>>, %arg6: memref<80x128xi32, #tpu.memory_space<vmem>>, %arg7: memref<128x16xf32, #tpu.memory_space<vmem>>, %arg8: memref<10240x16xf32, #tpu.memory_space<vmem_shared>>) attributes {dimension_semantics = [#tpu.dimension_semantics<core_parallel>, #tpu.dimension_semantics<subcore_parallel>], iteration_bounds = array<i64: 2, 16>, scalar_prefetch = 0 : i64, scratch_operands = 3 : i64, tpu.core_type = #tpu.core_type<sc_vector_subcore>, window_params = [{transform_indices = #map}, {transform_indices = #map1}, {transform_indices = #map1}, {transform_indices = #map1}]} {
    %mul3A = arith.constant 640 : i32
    %mul3A_0 = arith.muli %arg1, %mul3A : i32
    "tpu.region"() ({
      %run_scoped3A = tpu.sem_alloc : memref<!tpu.dma_semaphore, #tpu.memory_space<semaphore_mem>>
      %dma_start3A = arith.constant 0 : i32
      %dma_start3A_8 = tpu.memref_slice %arg8[%mul3A_0, %dma_start3A] : memref<10240x16xf32, #tpu.memory_space<vmem_shared>> -> memref<640x16xf32, #tpu.memory_space<vmem_shared>>
      %dma_start3A_9 = arith.constant 0 : i32
      %dma_start3A_10 = tpu.memref_slice %arg4[%mul3A_0, %dma_start3A_9] : memref<10240x16xf32, #tpu.memory_space<hbm>> -> memref<640x16xf32, #tpu.memory_space<hbm>>
      tpu.enqueue_dma source(%dma_start3A_10 : memref<640x16xf32, #tpu.memory_space<hbm>>) target(%dma_start3A_8 : memref<640x16xf32, #tpu.memory_space<vmem_shared>>) target_semaphore(%run_scoped3A : memref<!tpu.dma_semaphore, #tpu.memory_space<semaphore_mem>>)
      %dma_wait3A = arith.constant 0 : i32
      %dma_wait3A_11 = tpu.memref_slice %arg8[%mul3A_0, %dma_wait3A] : memref<10240x16xf32, #tpu.memory_space<vmem_shared>> -> memref<640x16xf32, #tpu.memory_space<vmem_shared>>
      %dma_wait3A_12 = arith.constant 0 : i32
      %dma_wait3A_13 = tpu.memref_slice %arg4[%mul3A_0, %dma_wait3A_12] : memref<10240x16xf32, #tpu.memory_space<hbm>> -> memref<640x16xf32, #tpu.memory_space<hbm>>
      tpu.wait_dma2 semaphore(%run_scoped3A : memref<!tpu.dma_semaphore, #tpu.memory_space<semaphore_mem>>) src(%dma_wait3A_13 : memref<640x16xf32, #tpu.memory_space<hbm>>) dst(%dma_wait3A_11 : memref<640x16xf32, #tpu.memory_space<vmem_shared>>)
      tpu.yield
    }) : () -> ()
    "tpu.region"() ({
      %run_scoped3A = tpu.sem_alloc : memref<!tpu.dma_semaphore, #tpu.memory_space<semaphore_mem>>
      tpu.enqueue_dma source(%arg3 : memref<128x16xf32, #tpu.memory_space<hbm>>) target(%arg7 : memref<128x16xf32, #tpu.memory_space<vmem>>) target_semaphore(%run_scoped3A : memref<!tpu.dma_semaphore, #tpu.memory_space<semaphore_mem>>)
      tpu.wait_dma2 semaphore(%run_scoped3A : memref<!tpu.dma_semaphore, #tpu.memory_space<semaphore_mem>>) src(%arg3 : memref<128x16xf32, #tpu.memory_space<hbm>>) dst(%arg7 : memref<128x16xf32, #tpu.memory_space<vmem>>)
      tpu.yield
    }) : () -> ()
    "tpu.region"() ({
      %run_scoped3A = tpu.sem_alloc : memref<!tpu.dma_semaphore, #tpu.memory_space<semaphore_mem>>
      %dma_start3A = arith.constant 0 : i32
      %dma_start3A_8 = arith.constant 0 : i32
      %dma_start3A_9 = arith.constant 0 : i32
      %dma_start3A_10 = tpu.memref_slice %arg2[%arg0, %dma_start3A, %dma_start3A_8, %dma_start3A_9] : memref<2x16x80x128xi32, #tpu.memory_space<hbm>> -> memref<1x16x80x128xi32, #tpu.memory_space<hbm>>
      %dma_start3A_11 = tpu.memref_squeeze %dma_start3A_10 : memref<1x16x80x128xi32, #tpu.memory_space<hbm>> -> memref<16x80x128xi32, #tpu.memory_space<hbm>>
      %dma_start3A_12 = arith.constant 0 : i32
      %dma_start3A_13 = arith.constant 0 : i32
      %dma_start3A_14 = tpu.memref_slice %dma_start3A_11[%arg1, %dma_start3A_12, %dma_start3A_13] : memref<16x80x128xi32, #tpu.memory_space<hbm>> -> memref<1x80x128xi32, #tpu.memory_space<hbm>>
      %dma_start3A_15 = tpu.memref_squeeze %dma_start3A_14 : memref<1x80x128xi32, #tpu.memory_space<hbm>> -> memref<80x128xi32, #tpu.memory_space<hbm>>
      %dma_start3A_16 = arith.constant 0 : i32
      %dma_start3A_17 = arith.constant 0 : i32
      %dma_start3A_18 = arith.constant 0 : i32
      %dma_start3A_19 = tpu.memref_slice %arg2[%arg0, %dma_start3A_16, %dma_start3A_17, %dma_start3A_18] : memref<2x16x80x128xi32, #tpu.memory_space<hbm>> -> memref<1x16x80x128xi32, #tpu.memory_space<hbm>>
      %dma_start3A_20 = tpu.memref_squeeze %dma_start3A_19 : memref<1x16x80x128xi32, #tpu.memory_space<hbm>> -> memref<16x80x128xi32, #tpu.memory_space<hbm>>
      %dma_start3A_21 = arith.constant 0 : i32
      %dma_start3A_22 = arith.constant 0 : i32
      %dma_start3A_23 = tpu.memref_slice %dma_start3A_20[%arg1, %dma_start3A_21, %dma_start3A_22] : memref<16x80x128xi32, #tpu.memory_space<hbm>> -> memref<1x80x128xi32, #tpu.memory_space<hbm>>
      %dma_start3A_24 = tpu.memref_squeeze %dma_start3A_23 : memref<1x80x128xi32, #tpu.memory_space<hbm>> -> memref<80x128xi32, #tpu.memory_space<hbm>>
      tpu.enqueue_dma source(%dma_start3A_24 : memref<80x128xi32, #tpu.memory_space<hbm>>) target(%arg6 : memref<80x128xi32, #tpu.memory_space<vmem>>) target_semaphore(%run_scoped3A : memref<!tpu.dma_semaphore, #tpu.memory_space<semaphore_mem>>)
      %dma_wait3A = arith.constant 0 : i32
      %dma_wait3A_25 = arith.constant 0 : i32
      %dma_wait3A_26 = arith.constant 0 : i32
      %dma_wait3A_27 = tpu.memref_slice %arg2[%arg0, %dma_wait3A, %dma_wait3A_25, %dma_wait3A_26] : memref<2x16x80x128xi32, #tpu.memory_space<hbm>> -> memref<1x16x80x128xi32, #tpu.memory_space<hbm>>
      %dma_wait3A_28 = tpu.memref_squeeze %dma_wait3A_27 : memref<1x16x80x128xi32, #tpu.memory_space<hbm>> -> memref<16x80x128xi32, #tpu.memory_space<hbm>>
      %dma_wait3A_29 = arith.constant 0 : i32
      %dma_wait3A_30 = arith.constant 0 : i32
      %dma_wait3A_31 = tpu.memref_slice %dma_wait3A_28[%arg1, %dma_wait3A_29, %dma_wait3A_30] : memref<16x80x128xi32, #tpu.memory_space<hbm>> -> memref<1x80x128xi32, #tpu.memory_space<hbm>>
      %dma_wait3A_32 = tpu.memref_squeeze %dma_wait3A_31 : memref<1x80x128xi32, #tpu.memory_space<hbm>> -> memref<80x128xi32, #tpu.memory_space<hbm>>
      %dma_wait3A_33 = arith.constant 0 : i32
      %dma_wait3A_34 = arith.constant 0 : i32
      %dma_wait3A_35 = arith.constant 0 : i32
      %dma_wait3A_36 = tpu.memref_slice %arg2[%arg0, %dma_wait3A_33, %dma_wait3A_34, %dma_wait3A_35] : memref<2x16x80x128xi32, #tpu.memory_space<hbm>> -> memref<1x16x80x128xi32, #tpu.memory_space<hbm>>
      %dma_wait3A_37 = tpu.memref_squeeze %dma_wait3A_36 : memref<1x16x80x128xi32, #tpu.memory_space<hbm>> -> memref<16x80x128xi32, #tpu.memory_space<hbm>>
      %dma_wait3A_38 = arith.constant 0 : i32
      %dma_wait3A_39 = arith.constant 0 : i32
      %dma_wait3A_40 = tpu.memref_slice %dma_wait3A_37[%arg1, %dma_wait3A_38, %dma_wait3A_39] : memref<16x80x128xi32, #tpu.memory_space<hbm>> -> memref<1x80x128xi32, #tpu.memory_space<hbm>>
      %dma_wait3A_41 = tpu.memref_squeeze %dma_wait3A_40 : memref<1x80x128xi32, #tpu.memory_space<hbm>> -> memref<80x128xi32, #tpu.memory_space<hbm>>
      tpu.wait_dma2 semaphore(%run_scoped3A : memref<!tpu.dma_semaphore, #tpu.memory_space<semaphore_mem>>) src(%dma_wait3A_41 : memref<80x128xi32, #tpu.memory_space<hbm>>) dst(%arg6 : memref<80x128xi32, #tpu.memory_space<vmem>>)
      tpu.yield
    }) : () -> ()
    %barrier3A = arith.constant 0 : index
    tpu.barrier barrier_id(%barrier3A)
    %scan3A = arith.constant 0 : i32
    %scan3A_1 = arith.constant 80 : i32
    %scan3A_2 = arith.addi %scan3A, %scan3A_1 : i32
    %scan3A_3 = arith.constant 1 : i32
    scf.for %scan3A_8 = %scan3A to %scan3A_2 step %scan3A_3  : i32 {
      %mul3A_9 = arith.constant 1 : i32
      %mul3A_10 = arith.muli %scan3A_8, %mul3A_9 : i32
      %add3A = arith.constant 0 : i32
      %add3A_11 = arith.addi %add3A, %mul3A_10 : i32
      "tpu.region"() ({
        %run_scoped3A = tpu.sem_alloc : memref<!tpu.dma_semaphore, #tpu.memory_space<semaphore_mem>>
        %dma_start3A = arith.constant 0 : i32
        %dma_start3A_12 = tpu.memref_slice %arg6[%add3A_11, %dma_start3A] : memref<80x128xi32, #tpu.memory_space<vmem>> -> memref<1x128xi32, #tpu.memory_space<vmem>>
        %dma_start3A_13 = tpu.memref_squeeze %dma_start3A_12 : memref<1x128xi32, #tpu.memory_space<vmem>> -> memref<128xi32, #tpu.memory_space<vmem>>
        %dma_start3A_14 = arith.constant 0 : i32
        %dma_start3A_15 = arith.constant 0 : i32
        %dma_start3A_16 = tpu.memref_slice %arg8[%dma_start3A_14, %dma_start3A_15] : memref<10240x16xf32, #tpu.memory_space<vmem_shared>> -> memref<10240x16xf32, #tpu.memory_space<vmem_shared>>
        tpu.enqueue_indirect_dma source(%arg7 : memref<128x16xf32, #tpu.memory_space<vmem>>) target(%dma_start3A_16 : memref<10240x16xf32, #tpu.memory_space<vmem_shared>>) offsets(%dma_start3A_13 : memref<128xi32, #tpu.memory_space<vmem>>) semaphore(%run_scoped3A : memref<!tpu.dma_semaphore, #tpu.memory_space<semaphore_mem>>) {add = true}
        %dma_wait3A = arith.constant 0 : i32
        %dma_wait3A_17 = tpu.memref_slice %arg6[%add3A_11, %dma_wait3A] : memref<80x128xi32, #tpu.memory_space<vmem>> -> memref<1x128xi32, #tpu.memory_space<vmem>>
        %dma_wait3A_18 = tpu.memref_squeeze %dma_wait3A_17 : memref<1x128xi32, #tpu.memory_space<vmem>> -> memref<128xi32, #tpu.memory_space<vmem>>
        %dma_wait3A_19 = arith.constant 0 : i32
        %dma_wait3A_20 = arith.constant 0 : i32
        %dma_wait3A_21 = tpu.memref_slice %arg8[%dma_wait3A_19, %dma_wait3A_20] : memref<10240x16xf32, #tpu.memory_space<vmem_shared>> -> memref<10240x16xf32, #tpu.memory_space<vmem_shared>>
        tpu.wait_indirect_dma semaphore(%run_scoped3A : memref<!tpu.dma_semaphore, #tpu.memory_space<semaphore_mem>>) src(%arg7 : memref<128x16xf32, #tpu.memory_space<vmem>>) dst(%dma_wait3A_21 : memref<10240x16xf32, #tpu.memory_space<vmem_shared>>)
        tpu.yield
      }) : () -> ()
    }
    %scan3A_4 = arith.constant 80 : i32
    %barrier3A_5 = arith.constant 0 : index
    tpu.barrier barrier_id(%barrier3A_5)
    %mul3A_6 = arith.constant 16 : i32
    %mul3A_7 = arith.muli %arg0, %mul3A_6 : i32
    "tpu.region"() ({
      %run_scoped3A = tpu.sem_alloc : memref<!tpu.dma_semaphore, #tpu.memory_space<semaphore_mem>>
      %dma_start3A = tpu.memref_slice %arg5[%mul3A_0, %mul3A_7] : memref<10240x128xf32, #tpu.memory_space<hbm>> -> memref<640x16xf32, #tpu.memory_space<hbm>>
      %dma_start3A_8 = arith.constant 0 : i32
      %dma_start3A_9 = tpu.memref_slice %arg8[%mul3A_0, %dma_start3A_8] : memref<10240x16xf32, #tpu.memory_space<vmem_shared>> -> memref<640x16xf32, #tpu.memory_space<vmem_shared>>
      tpu.enqueue_dma source(%dma_start3A_9 : memref<640x16xf32, #tpu.memory_space<vmem_shared>>) target(%dma_start3A : memref<640x16xf32, #tpu.memory_space<hbm>>) target_semaphore(%run_scoped3A : memref<!tpu.dma_semaphore, #tpu.memory_space<semaphore_mem>>)
      %dma_wait3A = tpu.memref_slice %arg5[%mul3A_0, %mul3A_7] : memref<10240x128xf32, #tpu.memory_space<hbm>> -> memref<640x16xf32, #tpu.memory_space<hbm>>
      %dma_wait3A_10 = arith.constant 0 : i32
      %dma_wait3A_11 = tpu.memref_slice %arg8[%mul3A_0, %dma_wait3A_10] : memref<10240x16xf32, #tpu.memory_space<vmem_shared>> -> memref<640x16xf32, #tpu.memory_space<vmem_shared>>
      tpu.wait_dma2 semaphore(%run_scoped3A : memref<!tpu.dma_semaphore, #tpu.memory_space<semaphore_mem>>) src(%dma_wait3A_11 : memref<640x16xf32, #tpu.memory_space<vmem_shared>>) dst(%dma_wait3A : memref<640x16xf32, #tpu.memory_space<hbm>>)
      tpu.yield
    }) : () -> ()
    return
  }
}

#map = affine_map<(d0, d1) -> (0, 0)>
#map1 = affine_map<(d0, d1) -> (0, 0, 0, 0)>
module attributes {stable_mosaic.version = 14 : i64} {
  func.func @k(%arg0: i32, %arg1: i32, %arg2: memref<10240x128xf32, #tpu.memory_space<hbm>>, %arg3: memref<2x16x80x128xi32, #tpu.memory_space<hbm>>, %arg4: memref<2x16x80x128xi32, #tpu.memory_space<hbm>>, %arg5: memref<10240x64xf32, #tpu.memory_space<hbm>>, %arg6: memref<10240x128xf32, #tpu.memory_space<hbm>>, %arg7: memref<80x128xi32, #tpu.memory_space<vmem>>, %arg8: memref<80x128xi32, #tpu.memory_space<vmem>>, %arg9: memref<128x64xf32, #tpu.memory_space<vmem>>, %arg10: memref<128x64xf32, #tpu.memory_space<vmem>>, %arg11: memref<10240x64xf32, #tpu.memory_space<vmem_shared>>, %arg12: memref<10000x64xf32, #tpu.memory_space<vmem_shared>>, %arg13: memref<!tpu.dma_semaphore, #tpu.memory_space<semaphore_mem>>, %arg14: memref<!tpu.dma_semaphore, #tpu.memory_space<semaphore_mem>>) attributes {dimension_semantics = [#tpu.dimension_semantics<core_parallel>, #tpu.dimension_semantics<subcore_parallel>], iteration_bounds = array<i64: 2, 16>, scalar_prefetch = 0 : i64, scratch_operands = 8 : i64, tpu.core_type = #tpu.core_type<sc_vector_subcore>, window_params = [{transform_indices = #map}, {transform_indices = #map1}, {transform_indices = #map1}, {transform_indices = #map}, {transform_indices = #map}]} {
    %mul3A = arith.constant 640 : i32
    %mul3A_0 = arith.muli %arg1, %mul3A : i32
    %mul3A_1 = arith.constant 625 : i32
    %mul3A_2 = arith.muli %arg1, %mul3A_1 : i32
    "tpu.region"() ({
      %run_scoped3A = tpu.sem_alloc : memref<!tpu.dma_semaphore, #tpu.memory_space<semaphore_mem>>
      %dma_start3A_16 = arith.constant 0 : i32
      %dma_start3A_17 = tpu.memref_slice %arg12[%mul3A_2, %dma_start3A_16] : memref<10000x64xf32, #tpu.memory_space<vmem_shared>> -> memref<625x64xf32, #tpu.memory_space<vmem_shared>>
      %dma_start3A_18 = arith.constant 0 : i32
      %dma_start3A_19 = tpu.memref_slice %arg2[%mul3A_2, %dma_start3A_18] : memref<10240x128xf32, #tpu.memory_space<hbm>> -> memref<625x64xf32, #tpu.memory_space<hbm>>
      tpu.enqueue_dma source(%dma_start3A_19 : memref<625x64xf32, #tpu.memory_space<hbm>>) target(%dma_start3A_17 : memref<625x64xf32, #tpu.memory_space<vmem_shared>>) target_semaphore(%run_scoped3A : memref<!tpu.dma_semaphore, #tpu.memory_space<semaphore_mem>>)
      %dma_wait3A = arith.constant 0 : i32
      %dma_wait3A_20 = tpu.memref_slice %arg12[%mul3A_2, %dma_wait3A] : memref<10000x64xf32, #tpu.memory_space<vmem_shared>> -> memref<625x64xf32, #tpu.memory_space<vmem_shared>>
      %dma_wait3A_21 = arith.constant 0 : i32
      %dma_wait3A_22 = tpu.memref_slice %arg2[%mul3A_2, %dma_wait3A_21] : memref<10240x128xf32, #tpu.memory_space<hbm>> -> memref<625x64xf32, #tpu.memory_space<hbm>>
      tpu.wait_dma2 semaphore(%run_scoped3A : memref<!tpu.dma_semaphore, #tpu.memory_space<semaphore_mem>>) src(%dma_wait3A_22 : memref<625x64xf32, #tpu.memory_space<hbm>>) dst(%dma_wait3A_20 : memref<625x64xf32, #tpu.memory_space<vmem_shared>>)
      tpu.yield
    }) : () -> ()
    "tpu.region"() ({
      %run_scoped3A = tpu.sem_alloc : memref<!tpu.dma_semaphore, #tpu.memory_space<semaphore_mem>>
      %dma_start3A_16 = arith.constant 0 : i32
      %dma_start3A_17 = tpu.memref_slice %arg11[%mul3A_0, %dma_start3A_16] : memref<10240x64xf32, #tpu.memory_space<vmem_shared>> -> memref<640x64xf32, #tpu.memory_space<vmem_shared>>
      %dma_start3A_18 = arith.constant 0 : i32
      %dma_start3A_19 = tpu.memref_slice %arg5[%mul3A_0, %dma_start3A_18] : memref<10240x64xf32, #tpu.memory_space<hbm>> -> memref<640x64xf32, #tpu.memory_space<hbm>>
      tpu.enqueue_dma source(%dma_start3A_19 : memref<640x64xf32, #tpu.memory_space<hbm>>) target(%dma_start3A_17 : memref<640x64xf32, #tpu.memory_space<vmem_shared>>) target_semaphore(%run_scoped3A : memref<!tpu.dma_semaphore, #tpu.memory_space<semaphore_mem>>)
      %dma_wait3A = arith.constant 0 : i32
      %dma_wait3A_20 = tpu.memref_slice %arg11[%mul3A_0, %dma_wait3A] : memref<10240x64xf32, #tpu.memory_space<vmem_shared>> -> memref<640x64xf32, #tpu.memory_space<vmem_shared>>
      %dma_wait3A_21 = arith.constant 0 : i32
      %dma_wait3A_22 = tpu.memref_slice %arg5[%mul3A_0, %dma_wait3A_21] : memref<10240x64xf32, #tpu.memory_space<hbm>> -> memref<640x64xf32, #tpu.memory_space<hbm>>
      tpu.wait_dma2 semaphore(%run_scoped3A : memref<!tpu.dma_semaphore, #tpu.memory_space<semaphore_mem>>) src(%dma_wait3A_22 : memref<640x64xf32, #tpu.memory_space<hbm>>) dst(%dma_wait3A_20 : memref<640x64xf32, #tpu.memory_space<vmem_shared>>)
      tpu.yield
    }) : () -> ()
    "tpu.region"() ({
      %run_scoped3A = tpu.sem_alloc : memref<!tpu.dma_semaphore, #tpu.memory_space<semaphore_mem>>
      %dma_start3A_16 = arith.constant 0 : i32
      %dma_start3A_17 = arith.constant 0 : i32
      %dma_start3A_18 = arith.constant 0 : i32
      %dma_start3A_19 = tpu.memref_slice %arg3[%arg0, %dma_start3A_16, %dma_start3A_17, %dma_start3A_18] : memref<2x16x80x128xi32, #tpu.memory_space<hbm>> -> memref<1x16x80x128xi32, #tpu.memory_space<hbm>>
      %dma_start3A_20 = tpu.memref_squeeze %dma_start3A_19 : memref<1x16x80x128xi32, #tpu.memory_space<hbm>> -> memref<16x80x128xi32, #tpu.memory_space<hbm>>
      %dma_start3A_21 = arith.constant 0 : i32
      %dma_start3A_22 = arith.constant 0 : i32
      %dma_start3A_23 = tpu.memref_slice %dma_start3A_20[%arg1, %dma_start3A_21, %dma_start3A_22] : memref<16x80x128xi32, #tpu.memory_space<hbm>> -> memref<1x80x128xi32, #tpu.memory_space<hbm>>
      %dma_start3A_24 = tpu.memref_squeeze %dma_start3A_23 : memref<1x80x128xi32, #tpu.memory_space<hbm>> -> memref<80x128xi32, #tpu.memory_space<hbm>>
      %dma_start3A_25 = arith.constant 0 : i32
      %dma_start3A_26 = arith.constant 0 : i32
      %dma_start3A_27 = arith.constant 0 : i32
      %dma_start3A_28 = tpu.memref_slice %arg3[%arg0, %dma_start3A_25, %dma_start3A_26, %dma_start3A_27] : memref<2x16x80x128xi32, #tpu.memory_space<hbm>> -> memref<1x16x80x128xi32, #tpu.memory_space<hbm>>
      %dma_start3A_29 = tpu.memref_squeeze %dma_start3A_28 : memref<1x16x80x128xi32, #tpu.memory_space<hbm>> -> memref<16x80x128xi32, #tpu.memory_space<hbm>>
      %dma_start3A_30 = arith.constant 0 : i32
      %dma_start3A_31 = arith.constant 0 : i32
      %dma_start3A_32 = tpu.memref_slice %dma_start3A_29[%arg1, %dma_start3A_30, %dma_start3A_31] : memref<16x80x128xi32, #tpu.memory_space<hbm>> -> memref<1x80x128xi32, #tpu.memory_space<hbm>>
      %dma_start3A_33 = tpu.memref_squeeze %dma_start3A_32 : memref<1x80x128xi32, #tpu.memory_space<hbm>> -> memref<80x128xi32, #tpu.memory_space<hbm>>
      tpu.enqueue_dma source(%dma_start3A_33 : memref<80x128xi32, #tpu.memory_space<hbm>>) target(%arg7 : memref<80x128xi32, #tpu.memory_space<vmem>>) target_semaphore(%run_scoped3A : memref<!tpu.dma_semaphore, #tpu.memory_space<semaphore_mem>>)
      %dma_wait3A = arith.constant 0 : i32
      %dma_wait3A_34 = arith.constant 0 : i32
      %dma_wait3A_35 = arith.constant 0 : i32
      %dma_wait3A_36 = tpu.memref_slice %arg3[%arg0, %dma_wait3A, %dma_wait3A_34, %dma_wait3A_35] : memref<2x16x80x128xi32, #tpu.memory_space<hbm>> -> memref<1x16x80x128xi32, #tpu.memory_space<hbm>>
      %dma_wait3A_37 = tpu.memref_squeeze %dma_wait3A_36 : memref<1x16x80x128xi32, #tpu.memory_space<hbm>> -> memref<16x80x128xi32, #tpu.memory_space<hbm>>
      %dma_wait3A_38 = arith.constant 0 : i32
      %dma_wait3A_39 = arith.constant 0 : i32
      %dma_wait3A_40 = tpu.memref_slice %dma_wait3A_37[%arg1, %dma_wait3A_38, %dma_wait3A_39] : memref<16x80x128xi32, #tpu.memory_space<hbm>> -> memref<1x80x128xi32, #tpu.memory_space<hbm>>
      %dma_wait3A_41 = tpu.memref_squeeze %dma_wait3A_40 : memref<1x80x128xi32, #tpu.memory_space<hbm>> -> memref<80x128xi32, #tpu.memory_space<hbm>>
      %dma_wait3A_42 = arith.constant 0 : i32
      %dma_wait3A_43 = arith.constant 0 : i32
      %dma_wait3A_44 = arith.constant 0 : i32
      %dma_wait3A_45 = tpu.memref_slice %arg3[%arg0, %dma_wait3A_42, %dma_wait3A_43, %dma_wait3A_44] : memref<2x16x80x128xi32, #tpu.memory_space<hbm>> -> memref<1x16x80x128xi32, #tpu.memory_space<hbm>>
      %dma_wait3A_46 = tpu.memref_squeeze %dma_wait3A_45 : memref<1x16x80x128xi32, #tpu.memory_space<hbm>> -> memref<16x80x128xi32, #tpu.memory_space<hbm>>
      %dma_wait3A_47 = arith.constant 0 : i32
      %dma_wait3A_48 = arith.constant 0 : i32
      %dma_wait3A_49 = tpu.memref_slice %dma_wait3A_46[%arg1, %dma_wait3A_47, %dma_wait3A_48] : memref<16x80x128xi32, #tpu.memory_space<hbm>> -> memref<1x80x128xi32, #tpu.memory_space<hbm>>
      %dma_wait3A_50 = tpu.memref_squeeze %dma_wait3A_49 : memref<1x80x128xi32, #tpu.memory_space<hbm>> -> memref<80x128xi32, #tpu.memory_space<hbm>>
      tpu.wait_dma2 semaphore(%run_scoped3A : memref<!tpu.dma_semaphore, #tpu.memory_space<semaphore_mem>>) src(%dma_wait3A_50 : memref<80x128xi32, #tpu.memory_space<hbm>>) dst(%arg7 : memref<80x128xi32, #tpu.memory_space<vmem>>)
      tpu.yield
    }) : () -> ()
    "tpu.region"() ({
      %run_scoped3A = tpu.sem_alloc : memref<!tpu.dma_semaphore, #tpu.memory_space<semaphore_mem>>
      %dma_start3A_16 = arith.constant 0 : i32
      %dma_start3A_17 = arith.constant 0 : i32
      %dma_start3A_18 = arith.constant 0 : i32
      %dma_start3A_19 = tpu.memref_slice %arg4[%arg0, %dma_start3A_16, %dma_start3A_17, %dma_start3A_18] : memref<2x16x80x128xi32, #tpu.memory_space<hbm>> -> memref<1x16x80x128xi32, #tpu.memory_space<hbm>>
      %dma_start3A_20 = tpu.memref_squeeze %dma_start3A_19 : memref<1x16x80x128xi32, #tpu.memory_space<hbm>> -> memref<16x80x128xi32, #tpu.memory_space<hbm>>
      %dma_start3A_21 = arith.constant 0 : i32
      %dma_start3A_22 = arith.constant 0 : i32
      %dma_start3A_23 = tpu.memref_slice %dma_start3A_20[%arg1, %dma_start3A_21, %dma_start3A_22] : memref<16x80x128xi32, #tpu.memory_space<hbm>> -> memref<1x80x128xi32, #tpu.memory_space<hbm>>
      %dma_start3A_24 = tpu.memref_squeeze %dma_start3A_23 : memref<1x80x128xi32, #tpu.memory_space<hbm>> -> memref<80x128xi32, #tpu.memory_space<hbm>>
      %dma_start3A_25 = arith.constant 0 : i32
      %dma_start3A_26 = arith.constant 0 : i32
      %dma_start3A_27 = arith.constant 0 : i32
      %dma_start3A_28 = tpu.memref_slice %arg4[%arg0, %dma_start3A_25, %dma_start3A_26, %dma_start3A_27] : memref<2x16x80x128xi32, #tpu.memory_space<hbm>> -> memref<1x16x80x128xi32, #tpu.memory_space<hbm>>
      %dma_start3A_29 = tpu.memref_squeeze %dma_start3A_28 : memref<1x16x80x128xi32, #tpu.memory_space<hbm>> -> memref<16x80x128xi32, #tpu.memory_space<hbm>>
      %dma_start3A_30 = arith.constant 0 : i32
      %dma_start3A_31 = arith.constant 0 : i32
      %dma_start3A_32 = tpu.memref_slice %dma_start3A_29[%arg1, %dma_start3A_30, %dma_start3A_31] : memref<16x80x128xi32, #tpu.memory_space<hbm>> -> memref<1x80x128xi32, #tpu.memory_space<hbm>>
      %dma_start3A_33 = tpu.memref_squeeze %dma_start3A_32 : memref<1x80x128xi32, #tpu.memory_space<hbm>> -> memref<80x128xi32, #tpu.memory_space<hbm>>
      tpu.enqueue_dma source(%dma_start3A_33 : memref<80x128xi32, #tpu.memory_space<hbm>>) target(%arg8 : memref<80x128xi32, #tpu.memory_space<vmem>>) target_semaphore(%run_scoped3A : memref<!tpu.dma_semaphore, #tpu.memory_space<semaphore_mem>>)
      %dma_wait3A = arith.constant 0 : i32
      %dma_wait3A_34 = arith.constant 0 : i32
      %dma_wait3A_35 = arith.constant 0 : i32
      %dma_wait3A_36 = tpu.memref_slice %arg4[%arg0, %dma_wait3A, %dma_wait3A_34, %dma_wait3A_35] : memref<2x16x80x128xi32, #tpu.memory_space<hbm>> -> memref<1x16x80x128xi32, #tpu.memory_space<hbm>>
      %dma_wait3A_37 = tpu.memref_squeeze %dma_wait3A_36 : memref<1x16x80x128xi32, #tpu.memory_space<hbm>> -> memref<16x80x128xi32, #tpu.memory_space<hbm>>
      %dma_wait3A_38 = arith.constant 0 : i32
      %dma_wait3A_39 = arith.constant 0 : i32
      %dma_wait3A_40 = tpu.memref_slice %dma_wait3A_37[%arg1, %dma_wait3A_38, %dma_wait3A_39] : memref<16x80x128xi32, #tpu.memory_space<hbm>> -> memref<1x80x128xi32, #tpu.memory_space<hbm>>
      %dma_wait3A_41 = tpu.memref_squeeze %dma_wait3A_40 : memref<1x80x128xi32, #tpu.memory_space<hbm>> -> memref<80x128xi32, #tpu.memory_space<hbm>>
      %dma_wait3A_42 = arith.constant 0 : i32
      %dma_wait3A_43 = arith.constant 0 : i32
      %dma_wait3A_44 = arith.constant 0 : i32
      %dma_wait3A_45 = tpu.memref_slice %arg4[%arg0, %dma_wait3A_42, %dma_wait3A_43, %dma_wait3A_44] : memref<2x16x80x128xi32, #tpu.memory_space<hbm>> -> memref<1x16x80x128xi32, #tpu.memory_space<hbm>>
      %dma_wait3A_46 = tpu.memref_squeeze %dma_wait3A_45 : memref<1x16x80x128xi32, #tpu.memory_space<hbm>> -> memref<16x80x128xi32, #tpu.memory_space<hbm>>
      %dma_wait3A_47 = arith.constant 0 : i32
      %dma_wait3A_48 = arith.constant 0 : i32
      %dma_wait3A_49 = tpu.memref_slice %dma_wait3A_46[%arg1, %dma_wait3A_47, %dma_wait3A_48] : memref<16x80x128xi32, #tpu.memory_space<hbm>> -> memref<1x80x128xi32, #tpu.memory_space<hbm>>
      %dma_wait3A_50 = tpu.memref_squeeze %dma_wait3A_49 : memref<1x80x128xi32, #tpu.memory_space<hbm>> -> memref<80x128xi32, #tpu.memory_space<hbm>>
      tpu.wait_dma2 semaphore(%run_scoped3A : memref<!tpu.dma_semaphore, #tpu.memory_space<semaphore_mem>>) src(%dma_wait3A_50 : memref<80x128xi32, #tpu.memory_space<hbm>>) dst(%arg8 : memref<80x128xi32, #tpu.memory_space<vmem>>)
      tpu.yield
    }) : () -> ()
    %barrier3A = arith.constant 0 : index
    tpu.barrier barrier_id(%barrier3A)
    %dma_start3A = arith.constant 0 : i32
    %dma_start3A_3 = arith.constant 0 : i32
    %dma_start3A_4 = tpu.memref_slice %arg7[%dma_start3A, %dma_start3A_3] : memref<80x128xi32, #tpu.memory_space<vmem>> -> memref<1x128xi32, #tpu.memory_space<vmem>>
    %dma_start3A_5 = tpu.memref_squeeze %dma_start3A_4 : memref<1x128xi32, #tpu.memory_space<vmem>> -> memref<128xi32, #tpu.memory_space<vmem>>
    %dma_start3A_6 = arith.constant 0 : i32
    %dma_start3A_7 = arith.constant 0 : i32
    %dma_start3A_8 = tpu.memref_slice %arg12[%dma_start3A_6, %dma_start3A_7] : memref<10000x64xf32, #tpu.memory_space<vmem_shared>> -> memref<10000x64xf32, #tpu.memory_space<vmem_shared>>
    tpu.enqueue_indirect_dma source(%dma_start3A_8 : memref<10000x64xf32, #tpu.memory_space<vmem_shared>>) target(%arg9 : memref<128x64xf32, #tpu.memory_space<vmem>>) offsets(%dma_start3A_5 : memref<128xi32, #tpu.memory_space<vmem>>) semaphore(%arg13 : memref<!tpu.dma_semaphore, #tpu.memory_space<semaphore_mem>>)
    %scan3A = arith.constant 0 : i32
    %scan3A_9 = arith.constant 40 : i32
    %scan3A_10 = arith.addi %scan3A, %scan3A_9 : i32
    %scan3A_11 = arith.constant 1 : i32
    scf.for %scan3A_16 = %scan3A to %scan3A_10 step %scan3A_11  : i32 {
      %mul3A_17 = arith.constant 2 : i32
      %mul3A_18 = arith.muli %scan3A_16, %mul3A_17 : i32
      %add3A = arith.constant 0 : i32
      %add3A_19 = arith.addi %add3A, %mul3A_18 : i32
      %dma_wait3A = arith.constant 0 : i32
      %dma_wait3A_20 = tpu.memref_slice %arg7[%add3A_19, %dma_wait3A] : memref<80x128xi32, #tpu.memory_space<vmem>> -> memref<1x128xi32, #tpu.memory_space<vmem>>
      %dma_wait3A_21 = tpu.memref_squeeze %dma_wait3A_20 : memref<1x128xi32, #tpu.memory_space<vmem>> -> memref<128xi32, #tpu.memory_space<vmem>>
      %dma_wait3A_22 = arith.constant 0 : i32
      %dma_wait3A_23 = arith.constant 0 : i32
      %dma_wait3A_24 = tpu.memref_slice %arg12[%dma_wait3A_22, %dma_wait3A_23] : memref<10000x64xf32, #tpu.memory_space<vmem_shared>> -> memref<10000x64xf32, #tpu.memory_space<vmem_shared>>
      tpu.wait_indirect_dma semaphore(%arg13 : memref<!tpu.dma_semaphore, #tpu.memory_space<semaphore_mem>>) src(%dma_wait3A_24 : memref<10000x64xf32, #tpu.memory_space<vmem_shared>>) dst(%arg9 : memref<128x64xf32, #tpu.memory_space<vmem>>)
      %add3A_25 = arith.constant 1 : i32
      %add3A_26 = arith.addi %add3A_19, %add3A_25 : i32
      %dma_start3A_27 = arith.constant 0 : i32
      %dma_start3A_28 = tpu.memref_slice %arg7[%add3A_26, %dma_start3A_27] : memref<80x128xi32, #tpu.memory_space<vmem>> -> memref<1x128xi32, #tpu.memory_space<vmem>>
      %dma_start3A_29 = tpu.memref_squeeze %dma_start3A_28 : memref<1x128xi32, #tpu.memory_space<vmem>> -> memref<128xi32, #tpu.memory_space<vmem>>
      %dma_start3A_30 = arith.constant 0 : i32
      %dma_start3A_31 = arith.constant 0 : i32
      %dma_start3A_32 = tpu.memref_slice %arg12[%dma_start3A_30, %dma_start3A_31] : memref<10000x64xf32, #tpu.memory_space<vmem_shared>> -> memref<10000x64xf32, #tpu.memory_space<vmem_shared>>
      tpu.enqueue_indirect_dma source(%dma_start3A_32 : memref<10000x64xf32, #tpu.memory_space<vmem_shared>>) target(%arg10 : memref<128x64xf32, #tpu.memory_space<vmem>>) offsets(%dma_start3A_29 : memref<128xi32, #tpu.memory_space<vmem>>) semaphore(%arg14 : memref<!tpu.dma_semaphore, #tpu.memory_space<semaphore_mem>>)
      "tpu.region"() ({
        %run_scoped3A = tpu.sem_alloc : memref<!tpu.dma_semaphore, #tpu.memory_space<semaphore_mem>>
        %dma_start3A_47 = arith.constant 0 : i32
        %dma_start3A_48 = tpu.memref_slice %arg8[%add3A_19, %dma_start3A_47] : memref<80x128xi32, #tpu.memory_space<vmem>> -> memref<1x128xi32, #tpu.memory_space<vmem>>
        %dma_start3A_49 = tpu.memref_squeeze %dma_start3A_48 : memref<1x128xi32, #tpu.memory_space<vmem>> -> memref<128xi32, #tpu.memory_space<vmem>>
        %dma_start3A_50 = arith.constant 0 : i32
        %dma_start3A_51 = arith.constant 0 : i32
        %dma_start3A_52 = tpu.memref_slice %arg11[%dma_start3A_50, %dma_start3A_51] : memref<10240x64xf32, #tpu.memory_space<vmem_shared>> -> memref<10240x64xf32, #tpu.memory_space<vmem_shared>>
        tpu.enqueue_indirect_dma source(%arg9 : memref<128x64xf32, #tpu.memory_space<vmem>>) target(%dma_start3A_52 : memref<10240x64xf32, #tpu.memory_space<vmem_shared>>) offsets(%dma_start3A_49 : memref<128xi32, #tpu.memory_space<vmem>>) semaphore(%run_scoped3A : memref<!tpu.dma_semaphore, #tpu.memory_space<semaphore_mem>>) {add = true}
        %dma_wait3A_53 = arith.constant 0 : i32
        %dma_wait3A_54 = tpu.memref_slice %arg8[%add3A_19, %dma_wait3A_53] : memref<80x128xi32, #tpu.memory_space<vmem>> -> memref<1x128xi32, #tpu.memory_space<vmem>>
        %dma_wait3A_55 = tpu.memref_squeeze %dma_wait3A_54 : memref<1x128xi32, #tpu.memory_space<vmem>> -> memref<128xi32, #tpu.memory_space<vmem>>
        %dma_wait3A_56 = arith.constant 0 : i32
        %dma_wait3A_57 = arith.constant 0 : i32
        %dma_wait3A_58 = tpu.memref_slice %arg11[%dma_wait3A_56, %dma_wait3A_57] : memref<10240x64xf32, #tpu.memory_space<vmem_shared>> -> memref<10240x64xf32, #tpu.memory_space<vmem_shared>>
        tpu.wait_indirect_dma semaphore(%run_scoped3A : memref<!tpu.dma_semaphore, #tpu.memory_space<semaphore_mem>>) src(%arg9 : memref<128x64xf32, #tpu.memory_space<vmem>>) dst(%dma_wait3A_58 : memref<10240x64xf32, #tpu.memory_space<vmem_shared>>)
        tpu.yield
      }) : () -> ()
      %add3A_33 = arith.constant 1 : i32
      %add3A_34 = arith.addi %add3A_19, %add3A_33 : i32
      %dma_wait3A_35 = arith.constant 0 : i32
      %dma_wait3A_36 = tpu.memref_slice %arg7[%add3A_34, %dma_wait3A_35] : memref<80x128xi32, #tpu.memory_space<vmem>> -> memref<1x128xi32, #tpu.memory_space<vmem>>
      %dma_wait3A_37 = tpu.memref_squeeze %dma_wait3A_36 : memref<1x128xi32, #tpu.memory_space<vmem>> -> memref<128xi32, #tpu.memory_space<vmem>>
      %dma_wait3A_38 = arith.constant 0 : i32
      %dma_wait3A_39 = arith.constant 0 : i32
      %dma_wait3A_40 = tpu.memref_slice %arg12[%dma_wait3A_38, %dma_wait3A_39] : memref<10000x64xf32, #tpu.memory_space<vmem_shared>> -> memref<10000x64xf32, #tpu.memory_space<vmem_shared>>
      tpu.wait_indirect_dma semaphore(%arg14 : memref<!tpu.dma_semaphore, #tpu.memory_space<semaphore_mem>>) src(%dma_wait3A_40 : memref<10000x64xf32, #tpu.memory_space<vmem_shared>>) dst(%arg10 : memref<128x64xf32, #tpu.memory_space<vmem>>)
      %add3A_41 = arith.constant 2 : i32
      %add3A_42 = arith.addi %add3A_19, %add3A_41 : i32
      %lt3A = arith.constant 80 : i32
      %lt3A_43 = arith.cmpi slt, %add3A_42, %lt3A : i32
      %convert_element_type3A = arith.extui %lt3A_43 : i1 to i32
      %cond3A = arith.constant 0 : i32
      %cond3A_44 = arith.cmpi ne, %convert_element_type3A, %cond3A : i32
      scf.if %cond3A_44 {
        %add3A_47 = arith.constant 2 : i32
        %add3A_48 = arith.addi %add3A_19, %add3A_47 : i32
        %dma_start3A_49 = arith.constant 0 : i32
        %dma_start3A_50 = tpu.memref_slice %arg7[%add3A_48, %dma_start3A_49] : memref<80x128xi32, #tpu.memory_space<vmem>> -> memref<1x128xi32, #tpu.memory_space<vmem>>
        %dma_start3A_51 = tpu.memref_squeeze %dma_start3A_50 : memref<1x128xi32, #tpu.memory_space<vmem>> -> memref<128xi32, #tpu.memory_space<vmem>>
        %dma_start3A_52 = arith.constant 0 : i32
        %dma_start3A_53 = arith.constant 0 : i32
        %dma_start3A_54 = tpu.memref_slice %arg12[%dma_start3A_52, %dma_start3A_53] : memref<10000x64xf32, #tpu.memory_space<vmem_shared>> -> memref<10000x64xf32, #tpu.memory_space<vmem_shared>>
        tpu.enqueue_indirect_dma source(%dma_start3A_54 : memref<10000x64xf32, #tpu.memory_space<vmem_shared>>) target(%arg9 : memref<128x64xf32, #tpu.memory_space<vmem>>) offsets(%dma_start3A_51 : memref<128xi32, #tpu.memory_space<vmem>>) semaphore(%arg13 : memref<!tpu.dma_semaphore, #tpu.memory_space<semaphore_mem>>)
      } else {
      }
      %add3A_45 = arith.constant 1 : i32
      %add3A_46 = arith.addi %add3A_19, %add3A_45 : i32
      "tpu.region"() ({
        %run_scoped3A = tpu.sem_alloc : memref<!tpu.dma_semaphore, #tpu.memory_space<semaphore_mem>>
        %dma_start3A_47 = arith.constant 0 : i32
        %dma_start3A_48 = tpu.memref_slice %arg8[%add3A_46, %dma_start3A_47] : memref<80x128xi32, #tpu.memory_space<vmem>> -> memref<1x128xi32, #tpu.memory_space<vmem>>
        %dma_start3A_49 = tpu.memref_squeeze %dma_start3A_48 : memref<1x128xi32, #tpu.memory_space<vmem>> -> memref<128xi32, #tpu.memory_space<vmem>>
        %dma_start3A_50 = arith.constant 0 : i32
        %dma_start3A_51 = arith.constant 0 : i32
        %dma_start3A_52 = tpu.memref_slice %arg11[%dma_start3A_50, %dma_start3A_51] : memref<10240x64xf32, #tpu.memory_space<vmem_shared>> -> memref<10240x64xf32, #tpu.memory_space<vmem_shared>>
        tpu.enqueue_indirect_dma source(%arg10 : memref<128x64xf32, #tpu.memory_space<vmem>>) target(%dma_start3A_52 : memref<10240x64xf32, #tpu.memory_space<vmem_shared>>) offsets(%dma_start3A_49 : memref<128xi32, #tpu.memory_space<vmem>>) semaphore(%run_scoped3A : memref<!tpu.dma_semaphore, #tpu.memory_space<semaphore_mem>>) {add = true}
        %dma_wait3A_53 = arith.constant 0 : i32
        %dma_wait3A_54 = tpu.memref_slice %arg8[%add3A_46, %dma_wait3A_53] : memref<80x128xi32, #tpu.memory_space<vmem>> -> memref<1x128xi32, #tpu.memory_space<vmem>>
        %dma_wait3A_55 = tpu.memref_squeeze %dma_wait3A_54 : memref<1x128xi32, #tpu.memory_space<vmem>> -> memref<128xi32, #tpu.memory_space<vmem>>
        %dma_wait3A_56 = arith.constant 0 : i32
        %dma_wait3A_57 = arith.constant 0 : i32
        %dma_wait3A_58 = tpu.memref_slice %arg11[%dma_wait3A_56, %dma_wait3A_57] : memref<10240x64xf32, #tpu.memory_space<vmem_shared>> -> memref<10240x64xf32, #tpu.memory_space<vmem_shared>>
        tpu.wait_indirect_dma semaphore(%run_scoped3A : memref<!tpu.dma_semaphore, #tpu.memory_space<semaphore_mem>>) src(%arg10 : memref<128x64xf32, #tpu.memory_space<vmem>>) dst(%dma_wait3A_58 : memref<10240x64xf32, #tpu.memory_space<vmem_shared>>)
        tpu.yield
      }) : () -> ()
    }
    %scan3A_12 = arith.constant 40 : i32
    %barrier3A_13 = arith.constant 0 : index
    tpu.barrier barrier_id(%barrier3A_13)
    %mul3A_14 = arith.constant 64 : i32
    %mul3A_15 = arith.muli %arg0, %mul3A_14 : i32
    "tpu.region"() ({
      %run_scoped3A = tpu.sem_alloc : memref<!tpu.dma_semaphore, #tpu.memory_space<semaphore_mem>>
      %dma_start3A_16 = tpu.memref_slice %arg6[%mul3A_0, %mul3A_15] : memref<10240x128xf32, #tpu.memory_space<hbm>> -> memref<640x64xf32, #tpu.memory_space<hbm>>
      %dma_start3A_17 = arith.constant 0 : i32
      %dma_start3A_18 = tpu.memref_slice %arg11[%mul3A_0, %dma_start3A_17] : memref<10240x64xf32, #tpu.memory_space<vmem_shared>> -> memref<640x64xf32, #tpu.memory_space<vmem_shared>>
      tpu.enqueue_dma source(%dma_start3A_18 : memref<640x64xf32, #tpu.memory_space<vmem_shared>>) target(%dma_start3A_16 : memref<640x64xf32, #tpu.memory_space<hbm>>) target_semaphore(%run_scoped3A : memref<!tpu.dma_semaphore, #tpu.memory_space<semaphore_mem>>)
      %dma_wait3A = tpu.memref_slice %arg6[%mul3A_0, %mul3A_15] : memref<10240x128xf32, #tpu.memory_space<hbm>> -> memref<640x64xf32, #tpu.memory_space<hbm>>
      %dma_wait3A_19 = arith.constant 0 : i32
      %dma_wait3A_20 = tpu.memref_slice %arg11[%mul3A_0, %dma_wait3A_19] : memref<10240x64xf32, #tpu.memory_space<vmem_shared>> -> memref<640x64xf32, #tpu.memory_space<vmem_shared>>
      tpu.wait_dma2 semaphore(%run_scoped3A : memref<!tpu.dma_semaphore, #tpu.memory_space<semaphore_mem>>) src(%dma_wait3A_20 : memref<640x64xf32, #tpu.memory_space<vmem_shared>>) dst(%dma_wait3A : memref<640x64xf32, #tpu.memory_space<hbm>>)
      tpu.yield
    }) : () -> ()
    return
  }
}

#map = affine_map<(d0, d1) -> (0, 0)>
#map1 = affine_map<(d0, d1) -> (0, 0, 0)>
module attributes {stable_mosaic.version = 14 : i64} {
  func.func @k(%arg0: i32, %arg1: i32, %arg2: memref<10240x128xf32, #tpu.memory_space<hbm>>, %arg3: memref<16x160x128xi32, #tpu.memory_space<hbm>>, %arg4: memref<16x160x128xi32, #tpu.memory_space<hbm>>, %arg5: memref<10240x32xf32, #tpu.memory_space<hbm>>, %arg6: memref<10240x128xf32, #tpu.memory_space<hbm>>, %arg7: memref<2x32xf32, #tpu.memory_space<hbm>>, %arg8: memref<10000x32xf32, #tpu.memory_space<hbm>>, %arg9: memref<10000x32xf32, #tpu.memory_space<hbm>>, %arg10: memref<160x128xi32, #tpu.memory_space<vmem>>, %arg11: memref<160x128xi32, #tpu.memory_space<vmem>>, %arg12: memref<128x32xf32, #tpu.memory_space<vmem>>, %arg13: memref<128x32xf32, #tpu.memory_space<vmem>>, %arg14: memref<128x32xf32, #tpu.memory_space<vmem>>, %arg15: memref<128x32xf32, #tpu.memory_space<vmem>>, %arg16: memref<128x16xf32, #tpu.memory_space<vmem>>, %arg17: memref<32xf32, #tpu.memory_space<vmem>>, %arg18: memref<10240x32xf32, #tpu.memory_space<vmem_shared>>, %arg19: memref<10240x32xf32, #tpu.memory_space<vmem_shared>>, %arg20: memref<!tpu.dma_semaphore, #tpu.memory_space<semaphore_mem>>, %arg21: memref<!tpu.dma_semaphore, #tpu.memory_space<semaphore_mem>>) attributes {dimension_semantics = [#tpu.dimension_semantics<core_parallel>, #tpu.dimension_semantics<subcore_parallel>], iteration_bounds = array<i64: 2, 16>, scalar_prefetch = 0 : i64, scratch_operands = 12 : i64, tpu.core_type = #tpu.core_type<sc_vector_subcore>, window_params = [{transform_indices = #map}, {transform_indices = #map1}, {transform_indices = #map1}, {transform_indices = #map}, {transform_indices = #map}, {transform_indices = #map}, {transform_indices = #map}, {transform_indices = #map}]} {
    %mul3A = arith.constant 640 : i32
    %mul3A_0 = arith.muli %arg1, %mul3A : i32
    %mul3A_1 = arith.constant 625 : i32
    %mul3A_2 = arith.muli %arg1, %mul3A_1 : i32
    %mul3A_3 = arith.constant 32 : i32
    %mul3A_4 = arith.muli %arg0, %mul3A_3 : i32
    "tpu.region"() ({
      %run_scoped3A = tpu.sem_alloc : memref<!tpu.dma_semaphore, #tpu.memory_space<semaphore_mem>>
      %dma_start3A_26 = arith.constant 0 : i32
      %dma_start3A_27 = tpu.memref_slice %arg19[%mul3A_2, %dma_start3A_26] : memref<10240x32xf32, #tpu.memory_space<vmem_shared>> -> memref<625x32xf32, #tpu.memory_space<vmem_shared>>
      %dma_start3A_28 = tpu.memref_slice %arg2[%mul3A_2, %mul3A_4] : memref<10240x128xf32, #tpu.memory_space<hbm>> -> memref<625x32xf32, #tpu.memory_space<hbm>>
      tpu.enqueue_dma source(%dma_start3A_28 : memref<625x32xf32, #tpu.memory_space<hbm>>) target(%dma_start3A_27 : memref<625x32xf32, #tpu.memory_space<vmem_shared>>) target_semaphore(%run_scoped3A : memref<!tpu.dma_semaphore, #tpu.memory_space<semaphore_mem>>)
      %dma_wait3A = arith.constant 0 : i32
      %dma_wait3A_29 = tpu.memref_slice %arg19[%mul3A_2, %dma_wait3A] : memref<10240x32xf32, #tpu.memory_space<vmem_shared>> -> memref<625x32xf32, #tpu.memory_space<vmem_shared>>
      %dma_wait3A_30 = tpu.memref_slice %arg2[%mul3A_2, %mul3A_4] : memref<10240x128xf32, #tpu.memory_space<hbm>> -> memref<625x32xf32, #tpu.memory_space<hbm>>
      tpu.wait_dma2 semaphore(%run_scoped3A : memref<!tpu.dma_semaphore, #tpu.memory_space<semaphore_mem>>) src(%dma_wait3A_30 : memref<625x32xf32, #tpu.memory_space<hbm>>) dst(%dma_wait3A_29 : memref<625x32xf32, #tpu.memory_space<vmem_shared>>)
      tpu.yield
    }) : () -> ()
    "tpu.region"() ({
      %run_scoped3A = tpu.sem_alloc : memref<!tpu.dma_semaphore, #tpu.memory_space<semaphore_mem>>
      %dma_start3A_26 = arith.constant 0 : i32
      %dma_start3A_27 = tpu.memref_slice %arg18[%mul3A_0, %dma_start3A_26] : memref<10240x32xf32, #tpu.memory_space<vmem_shared>> -> memref<640x32xf32, #tpu.memory_space<vmem_shared>>
      %dma_start3A_28 = arith.constant 0 : i32
      %dma_start3A_29 = tpu.memref_slice %arg5[%mul3A_0, %dma_start3A_28] : memref<10240x32xf32, #tpu.memory_space<hbm>> -> memref<640x32xf32, #tpu.memory_space<hbm>>
      tpu.enqueue_dma source(%dma_start3A_29 : memref<640x32xf32, #tpu.memory_space<hbm>>) target(%dma_start3A_27 : memref<640x32xf32, #tpu.memory_space<vmem_shared>>) target_semaphore(%run_scoped3A : memref<!tpu.dma_semaphore, #tpu.memory_space<semaphore_mem>>)
      %dma_wait3A = arith.constant 0 : i32
      %dma_wait3A_30 = tpu.memref_slice %arg18[%mul3A_0, %dma_wait3A] : memref<10240x32xf32, #tpu.memory_space<vmem_shared>> -> memref<640x32xf32, #tpu.memory_space<vmem_shared>>
      %dma_wait3A_31 = arith.constant 0 : i32
      %dma_wait3A_32 = tpu.memref_slice %arg5[%mul3A_0, %dma_wait3A_31] : memref<10240x32xf32, #tpu.memory_space<hbm>> -> memref<640x32xf32, #tpu.memory_space<hbm>>
      tpu.wait_dma2 semaphore(%run_scoped3A : memref<!tpu.dma_semaphore, #tpu.memory_space<semaphore_mem>>) src(%dma_wait3A_32 : memref<640x32xf32, #tpu.memory_space<hbm>>) dst(%dma_wait3A_30 : memref<640x32xf32, #tpu.memory_space<vmem_shared>>)
      tpu.yield
    }) : () -> ()
    "tpu.region"() ({
      %run_scoped3A = tpu.sem_alloc : memref<!tpu.dma_semaphore, #tpu.memory_space<semaphore_mem>>
      %dma_start3A_26 = arith.constant 0 : i32
      %dma_start3A_27 = arith.constant 0 : i32
      %dma_start3A_28 = tpu.memref_slice %arg3[%arg1, %dma_start3A_26, %dma_start3A_27] : memref<16x160x128xi32, #tpu.memory_space<hbm>> -> memref<1x160x128xi32, #tpu.memory_space<hbm>>
      %dma_start3A_29 = tpu.memref_squeeze %dma_start3A_28 : memref<1x160x128xi32, #tpu.memory_space<hbm>> -> memref<160x128xi32, #tpu.memory_space<hbm>>
      %dma_start3A_30 = arith.constant 0 : i32
      %dma_start3A_31 = arith.constant 0 : i32
      %dma_start3A_32 = tpu.memref_slice %arg3[%arg1, %dma_start3A_30, %dma_start3A_31] : memref<16x160x128xi32, #tpu.memory_space<hbm>> -> memref<1x160x128xi32, #tpu.memory_space<hbm>>
      %dma_start3A_33 = tpu.memref_squeeze %dma_start3A_32 : memref<1x160x128xi32, #tpu.memory_space<hbm>> -> memref<160x128xi32, #tpu.memory_space<hbm>>
      tpu.enqueue_dma source(%dma_start3A_33 : memref<160x128xi32, #tpu.memory_space<hbm>>) target(%arg10 : memref<160x128xi32, #tpu.memory_space<vmem>>) target_semaphore(%run_scoped3A : memref<!tpu.dma_semaphore, #tpu.memory_space<semaphore_mem>>)
      %dma_wait3A = arith.constant 0 : i32
      %dma_wait3A_34 = arith.constant 0 : i32
      %dma_wait3A_35 = tpu.memref_slice %arg3[%arg1, %dma_wait3A, %dma_wait3A_34] : memref<16x160x128xi32, #tpu.memory_space<hbm>> -> memref<1x160x128xi32, #tpu.memory_space<hbm>>
      %dma_wait3A_36 = tpu.memref_squeeze %dma_wait3A_35 : memref<1x160x128xi32, #tpu.memory_space<hbm>> -> memref<160x128xi32, #tpu.memory_space<hbm>>
      %dma_wait3A_37 = arith.constant 0 : i32
      %dma_wait3A_38 = arith.constant 0 : i32
      %dma_wait3A_39 = tpu.memref_slice %arg3[%arg1, %dma_wait3A_37, %dma_wait3A_38] : memref<16x160x128xi32, #tpu.memory_space<hbm>> -> memref<1x160x128xi32, #tpu.memory_space<hbm>>
      %dma_wait3A_40 = tpu.memref_squeeze %dma_wait3A_39 : memref<1x160x128xi32, #tpu.memory_space<hbm>> -> memref<160x128xi32, #tpu.memory_space<hbm>>
      tpu.wait_dma2 semaphore(%run_scoped3A : memref<!tpu.dma_semaphore, #tpu.memory_space<semaphore_mem>>) src(%dma_wait3A_40 : memref<160x128xi32, #tpu.memory_space<hbm>>) dst(%arg10 : memref<160x128xi32, #tpu.memory_space<vmem>>)
      tpu.yield
    }) : () -> ()
    "tpu.region"() ({
      %run_scoped3A = tpu.sem_alloc : memref<!tpu.dma_semaphore, #tpu.memory_space<semaphore_mem>>
      %dma_start3A_26 = arith.constant 0 : i32
      %dma_start3A_27 = arith.constant 0 : i32
      %dma_start3A_28 = tpu.memref_slice %arg4[%arg1, %dma_start3A_26, %dma_start3A_27] : memref<16x160x128xi32, #tpu.memory_space<hbm>> -> memref<1x160x128xi32, #tpu.memory_space<hbm>>
      %dma_start3A_29 = tpu.memref_squeeze %dma_start3A_28 : memref<1x160x128xi32, #tpu.memory_space<hbm>> -> memref<160x128xi32, #tpu.memory_space<hbm>>
      %dma_start3A_30 = arith.constant 0 : i32
      %dma_start3A_31 = arith.constant 0 : i32
      %dma_start3A_32 = tpu.memref_slice %arg4[%arg1, %dma_start3A_30, %dma_start3A_31] : memref<16x160x128xi32, #tpu.memory_space<hbm>> -> memref<1x160x128xi32, #tpu.memory_space<hbm>>
      %dma_start3A_33 = tpu.memref_squeeze %dma_start3A_32 : memref<1x160x128xi32, #tpu.memory_space<hbm>> -> memref<160x128xi32, #tpu.memory_space<hbm>>
      tpu.enqueue_dma source(%dma_start3A_33 : memref<160x128xi32, #tpu.memory_space<hbm>>) target(%arg11 : memref<160x128xi32, #tpu.memory_space<vmem>>) target_semaphore(%run_scoped3A : memref<!tpu.dma_semaphore, #tpu.memory_space<semaphore_mem>>)
      %dma_wait3A = arith.constant 0 : i32
      %dma_wait3A_34 = arith.constant 0 : i32
      %dma_wait3A_35 = tpu.memref_slice %arg4[%arg1, %dma_wait3A, %dma_wait3A_34] : memref<16x160x128xi32, #tpu.memory_space<hbm>> -> memref<1x160x128xi32, #tpu.memory_space<hbm>>
      %dma_wait3A_36 = tpu.memref_squeeze %dma_wait3A_35 : memref<1x160x128xi32, #tpu.memory_space<hbm>> -> memref<160x128xi32, #tpu.memory_space<hbm>>
      %dma_wait3A_37 = arith.constant 0 : i32
      %dma_wait3A_38 = arith.constant 0 : i32
      %dma_wait3A_39 = tpu.memref_slice %arg4[%arg1, %dma_wait3A_37, %dma_wait3A_38] : memref<16x160x128xi32, #tpu.memory_space<hbm>> -> memref<1x160x128xi32, #tpu.memory_space<hbm>>
      %dma_wait3A_40 = tpu.memref_squeeze %dma_wait3A_39 : memref<1x160x128xi32, #tpu.memory_space<hbm>> -> memref<160x128xi32, #tpu.memory_space<hbm>>
      tpu.wait_dma2 semaphore(%run_scoped3A : memref<!tpu.dma_semaphore, #tpu.memory_space<semaphore_mem>>) src(%dma_wait3A_40 : memref<160x128xi32, #tpu.memory_space<hbm>>) dst(%arg11 : memref<160x128xi32, #tpu.memory_space<vmem>>)
      tpu.yield
    }) : () -> ()
    "tpu.region"() ({
      %run_scoped3A = tpu.sem_alloc : memref<!tpu.dma_semaphore, #tpu.memory_space<semaphore_mem>>
      %dma_start3A_26 = arith.constant 0 : i32
      %dma_start3A_27 = tpu.memref_slice %arg7[%arg0, %dma_start3A_26] : memref<2x32xf32, #tpu.memory_space<hbm>> -> memref<1x32xf32, #tpu.memory_space<hbm>>
      %dma_start3A_28 = tpu.memref_squeeze %dma_start3A_27 : memref<1x32xf32, #tpu.memory_space<hbm>> -> memref<32xf32, #tpu.memory_space<hbm>>
      %dma_start3A_29 = arith.constant 0 : i32
      %dma_start3A_30 = tpu.memref_slice %arg7[%arg0, %dma_start3A_29] : memref<2x32xf32, #tpu.memory_space<hbm>> -> memref<1x32xf32, #tpu.memory_space<hbm>>
      %dma_start3A_31 = tpu.memref_squeeze %dma_start3A_30 : memref<1x32xf32, #tpu.memory_space<hbm>> -> memref<32xf32, #tpu.memory_space<hbm>>
      tpu.enqueue_dma source(%dma_start3A_31 : memref<32xf32, #tpu.memory_space<hbm>>) target(%arg17 : memref<32xf32, #tpu.memory_space<vmem>>) target_semaphore(%run_scoped3A : memref<!tpu.dma_semaphore, #tpu.memory_space<semaphore_mem>>)
      %dma_wait3A = arith.constant 0 : i32
      %dma_wait3A_32 = tpu.memref_slice %arg7[%arg0, %dma_wait3A] : memref<2x32xf32, #tpu.memory_space<hbm>> -> memref<1x32xf32, #tpu.memory_space<hbm>>
      %dma_wait3A_33 = tpu.memref_squeeze %dma_wait3A_32 : memref<1x32xf32, #tpu.memory_space<hbm>> -> memref<32xf32, #tpu.memory_space<hbm>>
      %dma_wait3A_34 = arith.constant 0 : i32
      %dma_wait3A_35 = tpu.memref_slice %arg7[%arg0, %dma_wait3A_34] : memref<2x32xf32, #tpu.memory_space<hbm>> -> memref<1x32xf32, #tpu.memory_space<hbm>>
      %dma_wait3A_36 = tpu.memref_squeeze %dma_wait3A_35 : memref<1x32xf32, #tpu.memory_space<hbm>> -> memref<32xf32, #tpu.memory_space<hbm>>
      tpu.wait_dma2 semaphore(%run_scoped3A : memref<!tpu.dma_semaphore, #tpu.memory_space<semaphore_mem>>) src(%dma_wait3A_36 : memref<32xf32, #tpu.memory_space<hbm>>) dst(%arg17 : memref<32xf32, #tpu.memory_space<vmem>>)
      tpu.yield
    }) : () -> ()
    %barrier3A = arith.constant 0 : index
    tpu.barrier barrier_id(%barrier3A)
    %dma_start3A = arith.constant 0 : i32
    %dma_start3A_5 = arith.constant 0 : i32
    %dma_start3A_6 = tpu.memref_slice %arg10[%dma_start3A, %dma_start3A_5] : memref<160x128xi32, #tpu.memory_space<vmem>> -> memref<1x128xi32, #tpu.memory_space<vmem>>
    %dma_start3A_7 = tpu.memref_squeeze %dma_start3A_6 : memref<1x128xi32, #tpu.memory_space<vmem>> -> memref<128xi32, #tpu.memory_space<vmem>>
    %dma_start3A_8 = arith.constant 0 : i32
    %dma_start3A_9 = arith.constant 0 : i32
    %dma_start3A_10 = tpu.memref_slice %arg19[%dma_start3A_8, %dma_start3A_9] : memref<10240x32xf32, #tpu.memory_space<vmem_shared>> -> memref<10240x32xf32, #tpu.memory_space<vmem_shared>>
    tpu.enqueue_indirect_dma source(%dma_start3A_10 : memref<10240x32xf32, #tpu.memory_space<vmem_shared>>) target(%arg12 : memref<128x32xf32, #tpu.memory_space<vmem>>) offsets(%dma_start3A_7 : memref<128xi32, #tpu.memory_space<vmem>>) semaphore(%arg20 : memref<!tpu.dma_semaphore, #tpu.memory_space<semaphore_mem>>)
    %scan3A = arith.constant 0 : i32
    %scan3A_11 = arith.constant 80 : i32
    %scan3A_12 = arith.addi %scan3A, %scan3A_11 : i32
    %scan3A_13 = arith.constant 1 : i32
    scf.for %scan3A_26 = %scan3A to %scan3A_12 step %scan3A_13  : i32 {
      %mul3A_27 = arith.constant 2 : i32
      %mul3A_28 = arith.muli %scan3A_26, %mul3A_27 : i32
      %add3A = arith.constant 0 : i32
      %add3A_29 = arith.addi %add3A, %mul3A_28 : i32
      %dma_wait3A = arith.constant 0 : i32
      %dma_wait3A_30 = tpu.memref_slice %arg10[%add3A_29, %dma_wait3A] : memref<160x128xi32, #tpu.memory_space<vmem>> -> memref<1x128xi32, #tpu.memory_space<vmem>>
      %dma_wait3A_31 = tpu.memref_squeeze %dma_wait3A_30 : memref<1x128xi32, #tpu.memory_space<vmem>> -> memref<128xi32, #tpu.memory_space<vmem>>
      %dma_wait3A_32 = arith.constant 0 : i32
      %dma_wait3A_33 = arith.constant 0 : i32
      %dma_wait3A_34 = tpu.memref_slice %arg19[%dma_wait3A_32, %dma_wait3A_33] : memref<10240x32xf32, #tpu.memory_space<vmem_shared>> -> memref<10240x32xf32, #tpu.memory_space<vmem_shared>>
      tpu.wait_indirect_dma semaphore(%arg20 : memref<!tpu.dma_semaphore, #tpu.memory_space<semaphore_mem>>) src(%dma_wait3A_34 : memref<10240x32xf32, #tpu.memory_space<vmem_shared>>) dst(%arg12 : memref<128x32xf32, #tpu.memory_space<vmem>>)
      %add3A_35 = arith.constant 1 : i32
      %add3A_36 = arith.addi %add3A_29, %add3A_35 : i32
      %dma_start3A_37 = arith.constant 0 : i32
      %dma_start3A_38 = tpu.memref_slice %arg10[%add3A_36, %dma_start3A_37] : memref<160x128xi32, #tpu.memory_space<vmem>> -> memref<1x128xi32, #tpu.memory_space<vmem>>
      %dma_start3A_39 = tpu.memref_squeeze %dma_start3A_38 : memref<1x128xi32, #tpu.memory_space<vmem>> -> memref<128xi32, #tpu.memory_space<vmem>>
      %dma_start3A_40 = arith.constant 0 : i32
      %dma_start3A_41 = arith.constant 0 : i32
      %dma_start3A_42 = tpu.memref_slice %arg19[%dma_start3A_40, %dma_start3A_41] : memref<10240x32xf32, #tpu.memory_space<vmem_shared>> -> memref<10240x32xf32, #tpu.memory_space<vmem_shared>>
      tpu.enqueue_indirect_dma source(%dma_start3A_42 : memref<10240x32xf32, #tpu.memory_space<vmem_shared>>) target(%arg13 : memref<128x32xf32, #tpu.memory_space<vmem>>) offsets(%dma_start3A_39 : memref<128xi32, #tpu.memory_space<vmem>>) semaphore(%arg21 : memref<!tpu.dma_semaphore, #tpu.memory_space<semaphore_mem>>)
      "tpu.region"() ({
        %run_scoped3A = tpu.sem_alloc : memref<!tpu.dma_semaphore, #tpu.memory_space<semaphore_mem>>
        %dma_start3A_57 = arith.constant 0 : i32
        %dma_start3A_58 = tpu.memref_slice %arg11[%add3A_29, %dma_start3A_57] : memref<160x128xi32, #tpu.memory_space<vmem>> -> memref<1x128xi32, #tpu.memory_space<vmem>>
        %dma_start3A_59 = tpu.memref_squeeze %dma_start3A_58 : memref<1x128xi32, #tpu.memory_space<vmem>> -> memref<128xi32, #tpu.memory_space<vmem>>
        %dma_start3A_60 = arith.constant 0 : i32
        %dma_start3A_61 = arith.constant 0 : i32
        %dma_start3A_62 = tpu.memref_slice %arg18[%dma_start3A_60, %dma_start3A_61] : memref<10240x32xf32, #tpu.memory_space<vmem_shared>> -> memref<10240x32xf32, #tpu.memory_space<vmem_shared>>
        tpu.enqueue_indirect_dma source(%arg12 : memref<128x32xf32, #tpu.memory_space<vmem>>) target(%dma_start3A_62 : memref<10240x32xf32, #tpu.memory_space<vmem_shared>>) offsets(%dma_start3A_59 : memref<128xi32, #tpu.memory_space<vmem>>) semaphore(%run_scoped3A : memref<!tpu.dma_semaphore, #tpu.memory_space<semaphore_mem>>) {add = true}
        %dma_wait3A_63 = arith.constant 0 : i32
        %dma_wait3A_64 = tpu.memref_slice %arg11[%add3A_29, %dma_wait3A_63] : memref<160x128xi32, #tpu.memory_space<vmem>> -> memref<1x128xi32, #tpu.memory_space<vmem>>
        %dma_wait3A_65 = tpu.memref_squeeze %dma_wait3A_64 : memref<1x128xi32, #tpu.memory_space<vmem>> -> memref<128xi32, #tpu.memory_space<vmem>>
        %dma_wait3A_66 = arith.constant 0 : i32
        %dma_wait3A_67 = arith.constant 0 : i32
        %dma_wait3A_68 = tpu.memref_slice %arg18[%dma_wait3A_66, %dma_wait3A_67] : memref<10240x32xf32, #tpu.memory_space<vmem_shared>> -> memref<10240x32xf32, #tpu.memory_space<vmem_shared>>
        tpu.wait_indirect_dma semaphore(%run_scoped3A : memref<!tpu.dma_semaphore, #tpu.memory_space<semaphore_mem>>) src(%arg12 : memref<128x32xf32, #tpu.memory_space<vmem>>) dst(%dma_wait3A_68 : memref<10240x32xf32, #tpu.memory_space<vmem_shared>>)
        tpu.yield
      }) : () -> ()
      %add3A_43 = arith.constant 1 : i32
      %add3A_44 = arith.addi %add3A_29, %add3A_43 : i32
      %dma_wait3A_45 = arith.constant 0 : i32
      %dma_wait3A_46 = tpu.memref_slice %arg10[%add3A_44, %dma_wait3A_45] : memref<160x128xi32, #tpu.memory_space<vmem>> -> memref<1x128xi32, #tpu.memory_space<vmem>>
      %dma_wait3A_47 = tpu.memref_squeeze %dma_wait3A_46 : memref<1x128xi32, #tpu.memory_space<vmem>> -> memref<128xi32, #tpu.memory_space<vmem>>
      %dma_wait3A_48 = arith.constant 0 : i32
      %dma_wait3A_49 = arith.constant 0 : i32
      %dma_wait3A_50 = tpu.memref_slice %arg19[%dma_wait3A_48, %dma_wait3A_49] : memref<10240x32xf32, #tpu.memory_space<vmem_shared>> -> memref<10240x32xf32, #tpu.memory_space<vmem_shared>>
      tpu.wait_indirect_dma semaphore(%arg21 : memref<!tpu.dma_semaphore, #tpu.memory_space<semaphore_mem>>) src(%dma_wait3A_50 : memref<10240x32xf32, #tpu.memory_space<vmem_shared>>) dst(%arg13 : memref<128x32xf32, #tpu.memory_space<vmem>>)
      %add3A_51 = arith.constant 2 : i32
      %add3A_52 = arith.addi %add3A_29, %add3A_51 : i32
      %lt3A = arith.constant 160 : i32
      %lt3A_53 = arith.cmpi slt, %add3A_52, %lt3A : i32
      %convert_element_type3A = arith.extui %lt3A_53 : i1 to i32
      %cond3A = arith.constant 0 : i32
      %cond3A_54 = arith.cmpi ne, %convert_element_type3A, %cond3A : i32
      scf.if %cond3A_54 {
        %add3A_57 = arith.constant 2 : i32
        %add3A_58 = arith.addi %add3A_29, %add3A_57 : i32
        %dma_start3A_59 = arith.constant 0 : i32
        %dma_start3A_60 = tpu.memref_slice %arg10[%add3A_58, %dma_start3A_59] : memref<160x128xi32, #tpu.memory_space<vmem>> -> memref<1x128xi32, #tpu.memory_space<vmem>>
        %dma_start3A_61 = tpu.memref_squeeze %dma_start3A_60 : memref<1x128xi32, #tpu.memory_space<vmem>> -> memref<128xi32, #tpu.memory_space<vmem>>
        %dma_start3A_62 = arith.constant 0 : i32
        %dma_start3A_63 = arith.constant 0 : i32
        %dma_start3A_64 = tpu.memref_slice %arg19[%dma_start3A_62, %dma_start3A_63] : memref<10240x32xf32, #tpu.memory_space<vmem_shared>> -> memref<10240x32xf32, #tpu.memory_space<vmem_shared>>
        tpu.enqueue_indirect_dma source(%dma_start3A_64 : memref<10240x32xf32, #tpu.memory_space<vmem_shared>>) target(%arg12 : memref<128x32xf32, #tpu.memory_space<vmem>>) offsets(%dma_start3A_61 : memref<128xi32, #tpu.memory_space<vmem>>) semaphore(%arg20 : memref<!tpu.dma_semaphore, #tpu.memory_space<semaphore_mem>>)
      } else {
      }
      %add3A_55 = arith.constant 1 : i32
      %add3A_56 = arith.addi %add3A_29, %add3A_55 : i32
      "tpu.region"() ({
        %run_scoped3A = tpu.sem_alloc : memref<!tpu.dma_semaphore, #tpu.memory_space<semaphore_mem>>
        %dma_start3A_57 = arith.constant 0 : i32
        %dma_start3A_58 = tpu.memref_slice %arg11[%add3A_56, %dma_start3A_57] : memref<160x128xi32, #tpu.memory_space<vmem>> -> memref<1x128xi32, #tpu.memory_space<vmem>>
        %dma_start3A_59 = tpu.memref_squeeze %dma_start3A_58 : memref<1x128xi32, #tpu.memory_space<vmem>> -> memref<128xi32, #tpu.memory_space<vmem>>
        %dma_start3A_60 = arith.constant 0 : i32
        %dma_start3A_61 = arith.constant 0 : i32
        %dma_start3A_62 = tpu.memref_slice %arg18[%dma_start3A_60, %dma_start3A_61] : memref<10240x32xf32, #tpu.memory_space<vmem_shared>> -> memref<10240x32xf32, #tpu.memory_space<vmem_shared>>
        tpu.enqueue_indirect_dma source(%arg13 : memref<128x32xf32, #tpu.memory_space<vmem>>) target(%dma_start3A_62 : memref<10240x32xf32, #tpu.memory_space<vmem_shared>>) offsets(%dma_start3A_59 : memref<128xi32, #tpu.memory_space<vmem>>) semaphore(%run_scoped3A : memref<!tpu.dma_semaphore, #tpu.memory_space<semaphore_mem>>) {add = true}
        %dma_wait3A_63 = arith.constant 0 : i32
        %dma_wait3A_64 = tpu.memref_slice %arg11[%add3A_56, %dma_wait3A_63] : memref<160x128xi32, #tpu.memory_space<vmem>> -> memref<1x128xi32, #tpu.memory_space<vmem>>
        %dma_wait3A_65 = tpu.memref_squeeze %dma_wait3A_64 : memref<1x128xi32, #tpu.memory_space<vmem>> -> memref<128xi32, #tpu.memory_space<vmem>>
        %dma_wait3A_66 = arith.constant 0 : i32
        %dma_wait3A_67 = arith.constant 0 : i32
        %dma_wait3A_68 = tpu.memref_slice %arg18[%dma_wait3A_66, %dma_wait3A_67] : memref<10240x32xf32, #tpu.memory_space<vmem_shared>> -> memref<10240x32xf32, #tpu.memory_space<vmem_shared>>
        tpu.wait_indirect_dma semaphore(%run_scoped3A : memref<!tpu.dma_semaphore, #tpu.memory_space<semaphore_mem>>) src(%arg13 : memref<128x32xf32, #tpu.memory_space<vmem>>) dst(%dma_wait3A_68 : memref<10240x32xf32, #tpu.memory_space<vmem_shared>>)
        tpu.yield
      }) : () -> ()
    }
    %scan3A_14 = arith.constant 80 : i32
    %barrier3A_15 = arith.constant 0 : index
    tpu.barrier barrier_id(%barrier3A_15)
    %get3A = arith.constant 0 : index
    %get3A_16 = tpu.vector_load %arg17[%get3A] {strides = array<i32>} : memref<32xf32, #tpu.memory_space<vmem>>, vector<16xf32>,
    %get3A_17 = vector.shape_cast %get3A_16 : vector<16xf32> to vector<16xf32>
    %get3A_18 = arith.constant 16 : index
    %get3A_19 = tpu.vector_load %arg17[%get3A_18] {strides = array<i32>} : memref<32xf32, #tpu.memory_space<vmem>>, vector<16xf32>,
    %get3A_20 = vector.shape_cast %get3A_19 : vector<16xf32> to vector<16xf32>
    %scan3A_21 = arith.constant 0 : i32
    %scan3A_22 = arith.constant 5 : i32
    %scan3A_23 = arith.addi %scan3A_21, %scan3A_22 : i32
    %scan3A_24 = arith.constant 1 : i32
    scf.for %scan3A_26 = %scan3A_21 to %scan3A_23 step %scan3A_24  : i32 {
      %mul3A_27 = arith.constant 128 : i32
      %mul3A_28 = arith.muli %scan3A_26, %mul3A_27 : i32
      %add3A = arith.constant 0 : i32
      %add3A_29 = arith.addi %add3A, %mul3A_28 : i32
      %add3A_30 = arith.addi %mul3A_0, %add3A_29 : i32
      "tpu.region"() ({
        %run_scoped3A = tpu.sem_alloc : memref<!tpu.dma_semaphore, #tpu.memory_space<semaphore_mem>>
        %dma_start3A_59 = arith.constant 0 : i32
        %dma_start3A_60 = tpu.memref_slice %arg18[%add3A_30, %dma_start3A_59] : memref<10240x32xf32, #tpu.memory_space<vmem_shared>> -> memref<128x32xf32, #tpu.memory_space<vmem_shared>>
        %dma_start3A_61 = arith.constant 0 : i32
        %dma_start3A_62 = tpu.memref_slice %arg18[%add3A_30, %dma_start3A_61] : memref<10240x32xf32, #tpu.memory_space<vmem_shared>> -> memref<128x32xf32, #tpu.memory_space<vmem_shared>>
        tpu.enqueue_dma source(%dma_start3A_62 : memref<128x32xf32, #tpu.memory_space<vmem_shared>>) target(%arg14 : memref<128x32xf32, #tpu.memory_space<vmem>>) target_semaphore(%run_scoped3A : memref<!tpu.dma_semaphore, #tpu.memory_space<semaphore_mem>>)
        %dma_wait3A = arith.constant 0 : i32
        %dma_wait3A_63 = tpu.memref_slice %arg18[%add3A_30, %dma_wait3A] : memref<10240x32xf32, #tpu.memory_space<vmem_shared>> -> memref<128x32xf32, #tpu.memory_space<vmem_shared>>
        %dma_wait3A_64 = arith.constant 0 : i32
        %dma_wait3A_65 = tpu.memref_slice %arg18[%add3A_30, %dma_wait3A_64] : memref<10240x32xf32, #tpu.memory_space<vmem_shared>> -> memref<128x32xf32, #tpu.memory_space<vmem_shared>>
        tpu.wait_dma2 semaphore(%run_scoped3A : memref<!tpu.dma_semaphore, #tpu.memory_space<semaphore_mem>>) src(%dma_wait3A_65 : memref<128x32xf32, #tpu.memory_space<vmem_shared>>) dst(%arg14 : memref<128x32xf32, #tpu.memory_space<vmem>>)
        tpu.yield
      }) : () -> ()
      "tpu.region"() ({
        %run_scoped3A = tpu.sem_alloc : memref<!tpu.dma_semaphore, #tpu.memory_space<semaphore_mem>>
        %dma_start3A_59 = arith.constant 0 : i32
        %dma_start3A_60 = tpu.memref_slice %arg19[%add3A_30, %dma_start3A_59] : memref<10240x32xf32, #tpu.memory_space<vmem_shared>> -> memref<128x32xf32, #tpu.memory_space<vmem_shared>>
        %dma_start3A_61 = arith.constant 0 : i32
        %dma_start3A_62 = tpu.memref_slice %arg19[%add3A_30, %dma_start3A_61] : memref<10240x32xf32, #tpu.memory_space<vmem_shared>> -> memref<128x32xf32, #tpu.memory_space<vmem_shared>>
        tpu.enqueue_dma source(%dma_start3A_62 : memref<128x32xf32, #tpu.memory_space<vmem_shared>>) target(%arg15 : memref<128x32xf32, #tpu.memory_space<vmem>>) target_semaphore(%run_scoped3A : memref<!tpu.dma_semaphore, #tpu.memory_space<semaphore_mem>>)
        %dma_wait3A = arith.constant 0 : i32
        %dma_wait3A_63 = tpu.memref_slice %arg19[%add3A_30, %dma_wait3A] : memref<10240x32xf32, #tpu.memory_space<vmem_shared>> -> memref<128x32xf32, #tpu.memory_space<vmem_shared>>
        %dma_wait3A_64 = arith.constant 0 : i32
        %dma_wait3A_65 = tpu.memref_slice %arg19[%add3A_30, %dma_wait3A_64] : memref<10240x32xf32, #tpu.memory_space<vmem_shared>> -> memref<128x32xf32, #tpu.memory_space<vmem_shared>>
        tpu.wait_dma2 semaphore(%run_scoped3A : memref<!tpu.dma_semaphore, #tpu.memory_space<semaphore_mem>>) src(%dma_wait3A_65 : memref<128x32xf32, #tpu.memory_space<vmem_shared>>) dst(%arg15 : memref<128x32xf32, #tpu.memory_space<vmem>>)
        tpu.yield
      }) : () -> ()
      "tpu.region"() ({
        %run_scoped3A = tpu.sem_alloc : memref<!tpu.dma_semaphore, #tpu.memory_space<semaphore_mem>>
        %dma_start3A_59 = arith.constant 64 : i32
        %dma_start3A_60 = tpu.memref_slice %arg6[%add3A_30, %dma_start3A_59] : memref<10240x128xf32, #tpu.memory_space<hbm>> -> memref<128x16xf32, #tpu.memory_space<hbm>>
        %dma_start3A_61 = arith.constant 64 : i32
        %dma_start3A_62 = tpu.memref_slice %arg6[%add3A_30, %dma_start3A_61] : memref<10240x128xf32, #tpu.memory_space<hbm>> -> memref<128x16xf32, #tpu.memory_space<hbm>>
        tpu.enqueue_dma source(%dma_start3A_62 : memref<128x16xf32, #tpu.memory_space<hbm>>) target(%arg16 : memref<128x16xf32, #tpu.memory_space<vmem>>) target_semaphore(%run_scoped3A : memref<!tpu.dma_semaphore, #tpu.memory_space<semaphore_mem>>)
        %dma_wait3A = arith.constant 64 : i32
        %dma_wait3A_63 = tpu.memref_slice %arg6[%add3A_30, %dma_wait3A] : memref<10240x128xf32, #tpu.memory_space<hbm>> -> memref<128x16xf32, #tpu.memory_space<hbm>>
        %dma_wait3A_64 = arith.constant 64 : i32
        %dma_wait3A_65 = tpu.memref_slice %arg6[%add3A_30, %dma_wait3A_64] : memref<10240x128xf32, #tpu.memory_space<hbm>> -> memref<128x16xf32, #tpu.memory_space<hbm>>
        tpu.wait_dma2 semaphore(%run_scoped3A : memref<!tpu.dma_semaphore, #tpu.memory_space<semaphore_mem>>) src(%dma_wait3A_65 : memref<128x16xf32, #tpu.memory_space<hbm>>) dst(%arg16 : memref<128x16xf32, #tpu.memory_space<vmem>>)
        tpu.yield
      }) : () -> ()
      %scan3A_31 = arith.constant 0 : i32
      %scan3A_32 = arith.constant 128 : i32
      %scan3A_33 = arith.addi %scan3A_31, %scan3A_32 : i32
      %scan3A_34 = arith.constant 1 : i32
      scf.for %scan3A_59 = %scan3A_31 to %scan3A_33 step %scan3A_34  : i32 {
        %mul3A_60 = arith.constant 1 : i32
        %mul3A_61 = arith.muli %scan3A_59, %mul3A_60 : i32
        %add3A_62 = arith.constant 0 : i32
        %add3A_63 = arith.addi %add3A_62, %mul3A_61 : i32
        %get3A_64 = arith.index_cast %add3A_63 : i32 to index
        %get3A_65 = arith.constant 0 : index
        %get3A_66 = tpu.vector_load %arg16[%get3A_64, %get3A_65] {strides = array<i32>} : memref<128x16xf32, #tpu.memory_space<vmem>>, vector<1x16xf32>,
        %get3A_67 = vector.shape_cast %get3A_66 : vector<1x16xf32> to vector<16xf32>
        %get3A_68 = arith.index_cast %add3A_63 : i32 to index
        %get3A_69 = arith.constant 0 : index
        %get3A_70 = tpu.vector_load %arg14[%get3A_68, %get3A_69] {strides = array<i32>} : memref<128x32xf32, #tpu.memory_space<vmem>>, vector<1x16xf32>,
        %get3A_71 = vector.shape_cast %get3A_70 : vector<1x16xf32> to vector<16xf32>
        %get3A_72 = arith.index_cast %add3A_63 : i32 to index
        %get3A_73 = arith.constant 0 : index
        %get3A_74 = tpu.vector_load %arg15[%get3A_72, %get3A_73] {strides = array<i32>} : memref<128x32xf32, #tpu.memory_space<vmem>>, vector<1x16xf32>,
        %get3A_75 = vector.shape_cast %get3A_74 : vector<1x16xf32> to vector<16xf32>
        %add3A_76 = arith.addf %get3A_71, %get3A_75 : vector<16xf32>
        %mul3A_77 = arith.mulf %get3A_67, %add3A_76 : vector<16xf32>
        %add3A_78 = arith.addf %mul3A_77, %get3A_17 : vector<16xf32>
        %swap3A = arith.index_cast %add3A_63 : i32 to index
        %swap3A_79 = arith.constant 0 : index
        %swap3A_80 = tpu.vector_load %arg14[%swap3A, %swap3A_79] {strides = array<i32>} : memref<128x32xf32, #tpu.memory_space<vmem>>, vector<1x16xf32>,
        %swap3A_81 = vector.shape_cast %swap3A_80 : vector<1x16xf32> to vector<16xf32>
        %swap3A_82 = vector.shape_cast %add3A_78 : vector<16xf32> to vector<1x16xf32>
        tpu.vector_store %arg14[%swap3A, %swap3A_79], %swap3A_82 {strides = array<i32>} : memref<128x32xf32, #tpu.memory_space<vmem>>, vector<1x16xf32>,
        %get3A_83 = arith.index_cast %add3A_63 : i32 to index
        %get3A_84 = arith.constant 16 : index
        %get3A_85 = tpu.vector_load %arg14[%get3A_83, %get3A_84] {strides = array<i32>} : memref<128x32xf32, #tpu.memory_space<vmem>>, vector<1x16xf32>,
        %get3A_86 = vector.shape_cast %get3A_85 : vector<1x16xf32> to vector<16xf32>
        %get3A_87 = arith.index_cast %add3A_63 : i32 to index
        %get3A_88 = arith.constant 16 : index
        %get3A_89 = tpu.vector_load %arg15[%get3A_87, %get3A_88] {strides = array<i32>} : memref<128x32xf32, #tpu.memory_space<vmem>>, vector<1x16xf32>,
        %get3A_90 = vector.shape_cast %get3A_89 : vector<1x16xf32> to vector<16xf32>
        %add3A_91 = arith.addf %get3A_86, %get3A_90 : vector<16xf32>
        %mul3A_92 = arith.mulf %get3A_67, %add3A_91 : vector<16xf32>
        %add3A_93 = arith.addf %mul3A_92, %get3A_20 : vector<16xf32>
        %swap3A_94 = arith.index_cast %add3A_63 : i32 to index
        %swap3A_95 = arith.constant 16 : index
        %swap3A_96 = tpu.vector_load %arg14[%swap3A_94, %swap3A_95] {strides = array<i32>} : memref<128x32xf32, #tpu.memory_space<vmem>>, vector<1x16xf32>,
        %swap3A_97 = vector.shape_cast %swap3A_96 : vector<1x16xf32> to vector<16xf32>
        %swap3A_98 = vector.shape_cast %add3A_93 : vector<16xf32> to vector<1x16xf32>
        tpu.vector_store %arg14[%swap3A_94, %swap3A_95], %swap3A_98 {strides = array<i32>} : memref<128x32xf32, #tpu.memory_space<vmem>>, vector<1x16xf32>,
      }
      %scan3A_35 = arith.constant 128 : i32
      %add3A_36 = arith.constant 128 : i32
      %add3A_37 = arith.addi %add3A_30, %add3A_36 : i32
      %le3A = arith.constant 10000 : i32
      %le3A_38 = arith.cmpi sle, %add3A_37, %le3A : i32
      %eq3A = arith.constant 0 : i32
      %eq3A_39 = arith.cmpi eq, %arg0, %eq3A : i32
      %and3A = arith.andi %le3A_38, %eq3A_39 : i1
      %convert_element_type3A = arith.extui %and3A : i1 to i32
      %cond3A = arith.constant 0 : i32
      %cond3A_40 = arith.cmpi ne, %convert_element_type3A, %cond3A : i32
      scf.if %cond3A_40 {
        "tpu.region"() ({
          %run_scoped3A = tpu.sem_alloc : memref<!tpu.dma_semaphore, #tpu.memory_space<semaphore_mem>>
          %dma_start3A_59 = arith.constant 0 : i32
          %dma_start3A_60 = tpu.memref_slice %arg8[%add3A_30, %dma_start3A_59] : memref<10000x32xf32, #tpu.memory_space<hbm>> -> memref<128x32xf32, #tpu.memory_space<hbm>>
          %dma_start3A_61 = arith.constant 0 : i32
          %dma_start3A_62 = tpu.memref_slice %arg8[%add3A_30, %dma_start3A_61] : memref<10000x32xf32, #tpu.memory_space<hbm>> -> memref<128x32xf32, #tpu.memory_space<hbm>>
          tpu.enqueue_dma source(%arg14 : memref<128x32xf32, #tpu.memory_space<vmem>>) target(%dma_start3A_62 : memref<128x32xf32, #tpu.memory_space<hbm>>) target_semaphore(%run_scoped3A : memref<!tpu.dma_semaphore, #tpu.memory_space<semaphore_mem>>)
          %dma_wait3A = arith.constant 0 : i32
          %dma_wait3A_63 = tpu.memref_slice %arg8[%add3A_30, %dma_wait3A] : memref<10000x32xf32, #tpu.memory_space<hbm>> -> memref<128x32xf32, #tpu.memory_space<hbm>>
          %dma_wait3A_64 = arith.constant 0 : i32
          %dma_wait3A_65 = tpu.memref_slice %arg8[%add3A_30, %dma_wait3A_64] : memref<10000x32xf32, #tpu.memory_space<hbm>> -> memref<128x32xf32, #tpu.memory_space<hbm>>
          tpu.wait_dma2 semaphore(%run_scoped3A : memref<!tpu.dma_semaphore, #tpu.memory_space<semaphore_mem>>) src(%arg14 : memref<128x32xf32, #tpu.memory_space<vmem>>) dst(%dma_wait3A_65 : memref<128x32xf32, #tpu.memory_space<hbm>>)
          tpu.yield
        }) : () -> ()
      } else {
      }
      %add3A_41 = arith.constant 128 : i32
      %add3A_42 = arith.addi %add3A_30, %add3A_41 : i32
      %le3A_43 = arith.constant 10000 : i32
      %le3A_44 = arith.cmpi sle, %add3A_42, %le3A_43 : i32
      %eq3A_45 = arith.constant 1 : i32
      %eq3A_46 = arith.cmpi eq, %arg0, %eq3A_45 : i32
      %and3A_47 = arith.andi %le3A_44, %eq3A_46 : i1
      %convert_element_type3A_48 = arith.extui %and3A_47 : i1 to i32
      %cond3A_49 = arith.constant 0 : i32
      %cond3A_50 = arith.cmpi ne, %convert_element_type3A_48, %cond3A_49 : i32
      scf.if %cond3A_50 {
        "tpu.region"() ({
          %run_scoped3A = tpu.sem_alloc : memref<!tpu.dma_semaphore, #tpu.memory_space<semaphore_mem>>
          %dma_start3A_59 = arith.constant 0 : i32
          %dma_start3A_60 = tpu.memref_slice %arg9[%add3A_30, %dma_start3A_59] : memref<10000x32xf32, #tpu.memory_space<hbm>> -> memref<128x32xf32, #tpu.memory_space<hbm>>
          %dma_start3A_61 = arith.constant 0 : i32
          %dma_start3A_62 = tpu.memref_slice %arg9[%add3A_30, %dma_start3A_61] : memref<10000x32xf32, #tpu.memory_space<hbm>> -> memref<128x32xf32, #tpu.memory_space<hbm>>
          tpu.enqueue_dma source(%arg14 : memref<128x32xf32, #tpu.memory_space<vmem>>) target(%dma_start3A_62 : memref<128x32xf32, #tpu.memory_space<hbm>>) target_semaphore(%run_scoped3A : memref<!tpu.dma_semaphore, #tpu.memory_space<semaphore_mem>>)
          %dma_wait3A = arith.constant 0 : i32
          %dma_wait3A_63 = tpu.memref_slice %arg9[%add3A_30, %dma_wait3A] : memref<10000x32xf32, #tpu.memory_space<hbm>> -> memref<128x32xf32, #tpu.memory_space<hbm>>
          %dma_wait3A_64 = arith.constant 0 : i32
          %dma_wait3A_65 = tpu.memref_slice %arg9[%add3A_30, %dma_wait3A_64] : memref<10000x32xf32, #tpu.memory_space<hbm>> -> memref<128x32xf32, #tpu.memory_space<hbm>>
          tpu.wait_dma2 semaphore(%run_scoped3A : memref<!tpu.dma_semaphore, #tpu.memory_space<semaphore_mem>>) src(%arg14 : memref<128x32xf32, #tpu.memory_space<vmem>>) dst(%dma_wait3A_65 : memref<128x32xf32, #tpu.memory_space<hbm>>)
          tpu.yield
        }) : () -> ()
      } else {
      }
      %lt3A = arith.constant 10000 : i32
      %lt3A_51 = arith.cmpi slt, %add3A_30, %lt3A : i32
      %add3A_52 = arith.constant 128 : i32
      %add3A_53 = arith.addi %add3A_30, %add3A_52 : i32
      %gt3A = arith.constant 10000 : i32
      %gt3A_54 = arith.cmpi sgt, %add3A_53, %gt3A : i32
      %and3A_55 = arith.andi %lt3A_51, %gt3A_54 : i1
      %convert_element_type3A_56 = arith.extui %and3A_55 : i1 to i32
      %cond3A_57 = arith.constant 0 : i32
      %cond3A_58 = arith.cmpi ne, %convert_element_type3A_56, %cond3A_57 : i32
      scf.if %cond3A_58 {
        %eq3A_59 = arith.constant 0 : i32
        %eq3A_60 = arith.cmpi eq, %arg0, %eq3A_59 : i32
        %convert_element_type3A_61 = arith.extui %eq3A_60 : i1 to i32
        %cond3A_62 = arith.constant 0 : i32
        %cond3A_63 = arith.cmpi ne, %convert_element_type3A_61, %cond3A_62 : i32
        scf.if %cond3A_63 {
          "tpu.region"() ({
            %run_scoped3A = tpu.sem_alloc : memref<!tpu.dma_semaphore, #tpu.memory_space<semaphore_mem>>
            %dma_start3A_69 = arith.constant 0 : i32
            %dma_start3A_70 = arith.constant 0 : i32
            %dma_start3A_71 = tpu.memref_slice %arg14[%dma_start3A_69, %dma_start3A_70] : memref<128x32xf32, #tpu.memory_space<vmem>> -> memref<16x32xf32, #tpu.memory_space<vmem>>
            %dma_start3A_72 = arith.constant 0 : i32
            %dma_start3A_73 = tpu.memref_slice %arg8[%add3A_30, %dma_start3A_72] : memref<10000x32xf32, #tpu.memory_space<hbm>> -> memref<16x32xf32, #tpu.memory_space<hbm>>
            %dma_start3A_74 = arith.constant 0 : i32
            %dma_start3A_75 = tpu.memref_slice %arg8[%add3A_30, %dma_start3A_74] : memref<10000x32xf32, #tpu.memory_space<hbm>> -> memref<16x32xf32, #tpu.memory_space<hbm>>
            %dma_start3A_76 = arith.constant 0 : i32
            %dma_start3A_77 = arith.constant 0 : i32
            %dma_start3A_78 = tpu.memref_slice %arg14[%dma_start3A_76, %dma_start3A_77] : memref<128x32xf32, #tpu.memory_space<vmem>> -> memref<16x32xf32, #tpu.memory_space<vmem>>
            tpu.enqueue_dma source(%dma_start3A_78 : memref<16x32xf32, #tpu.memory_space<vmem>>) target(%dma_start3A_75 : memref<16x32xf32, #tpu.memory_space<hbm>>) target_semaphore(%run_scoped3A : memref<!tpu.dma_semaphore, #tpu.memory_space<semaphore_mem>>)
            %dma_wait3A = arith.constant 0 : i32
            %dma_wait3A_79 = arith.constant 0 : i32
            %dma_wait3A_80 = tpu.memref_slice %arg14[%dma_wait3A, %dma_wait3A_79] : memref<128x32xf32, #tpu.memory_space<vmem>> -> memref<16x32xf32, #tpu.memory_space<vmem>>
            %dma_wait3A_81 = arith.constant 0 : i32
            %dma_wait3A_82 = tpu.memref_slice %arg8[%add3A_30, %dma_wait3A_81] : memref<10000x32xf32, #tpu.memory_space<hbm>> -> memref<16x32xf32, #tpu.memory_space<hbm>>
            %dma_wait3A_83 = arith.constant 0 : i32
            %dma_wait3A_84 = tpu.memref_slice %arg8[%add3A_30, %dma_wait3A_83] : memref<10000x32xf32, #tpu.memory_space<hbm>> -> memref<16x32xf32, #tpu.memory_space<hbm>>
            %dma_wait3A_85 = arith.constant 0 : i32
            %dma_wait3A_86 = arith.constant 0 : i32
            %dma_wait3A_87 = tpu.memref_slice %arg14[%dma_wait3A_85, %dma_wait3A_86] : memref<128x32xf32, #tpu.memory_space<vmem>> -> memref<16x32xf32, #tpu.memory_space<vmem>>
            tpu.wait_dma2 semaphore(%run_scoped3A : memref<!tpu.dma_semaphore, #tpu.memory_space<semaphore_mem>>) src(%dma_wait3A_87 : memref<16x32xf32, #tpu.memory_space<vmem>>) dst(%dma_wait3A_84 : memref<16x32xf32, #tpu.memory_space<hbm>>)
            tpu.yield
          }) : () -> ()
        } else {
        }
        %eq3A_64 = arith.constant 1 : i32
        %eq3A_65 = arith.cmpi eq, %arg0, %eq3A_64 : i32
        %convert_element_type3A_66 = arith.extui %eq3A_65 : i1 to i32
        %cond3A_67 = arith.constant 0 : i32
        %cond3A_68 = arith.cmpi ne, %convert_element_type3A_66, %cond3A_67 : i32
        scf.if %cond3A_68 {
          "tpu.region"() ({
            %run_scoped3A = tpu.sem_alloc : memref<!tpu.dma_semaphore, #tpu.memory_space<semaphore_mem>>
            %dma_start3A_69 = arith.constant 0 : i32
            %dma_start3A_70 = arith.constant 0 : i32
            %dma_start3A_71 = tpu.memref_slice %arg14[%dma_start3A_69, %dma_start3A_70] : memref<128x32xf32, #tpu.memory_space<vmem>> -> memref<16x32xf32, #tpu.memory_space<vmem>>
            %dma_start3A_72 = arith.constant 0 : i32
            %dma_start3A_73 = tpu.memref_slice %arg9[%add3A_30, %dma_start3A_72] : memref<10000x32xf32, #tpu.memory_space<hbm>> -> memref<16x32xf32, #tpu.memory_space<hbm>>
            %dma_start3A_74 = arith.constant 0 : i32
            %dma_start3A_75 = tpu.memref_slice %arg9[%add3A_30, %dma_start3A_74] : memref<10000x32xf32, #tpu.memory_space<hbm>> -> memref<16x32xf32, #tpu.memory_space<hbm>>
            %dma_start3A_76 = arith.constant 0 : i32
            %dma_start3A_77 = arith.constant 0 : i32
            %dma_start3A_78 = tpu.memref_slice %arg14[%dma_start3A_76, %dma_start3A_77] : memref<128x32xf32, #tpu.memory_space<vmem>> -> memref<16x32xf32, #tpu.memory_space<vmem>>
            tpu.enqueue_dma source(%dma_start3A_78 : memref<16x32xf32, #tpu.memory_space<vmem>>) target(%dma_start3A_75 : memref<16x32xf32, #tpu.memory_space<hbm>>) target_semaphore(%run_scoped3A : memref<!tpu.dma_semaphore, #tpu.memory_space<semaphore_mem>>)
            %dma_wait3A = arith.constant 0 : i32
            %dma_wait3A_79 = arith.constant 0 : i32
            %dma_wait3A_80 = tpu.memref_slice %arg14[%dma_wait3A, %dma_wait3A_79] : memref<128x32xf32, #tpu.memory_space<vmem>> -> memref<16x32xf32, #tpu.memory_space<vmem>>
            %dma_wait3A_81 = arith.constant 0 : i32
            %dma_wait3A_82 = tpu.memref_slice %arg9[%add3A_30, %dma_wait3A_81] : memref<10000x32xf32, #tpu.memory_space<hbm>> -> memref<16x32xf32, #tpu.memory_space<hbm>>
            %dma_wait3A_83 = arith.constant 0 : i32
            %dma_wait3A_84 = tpu.memref_slice %arg9[%add3A_30, %dma_wait3A_83] : memref<10000x32xf32, #tpu.memory_space<hbm>> -> memref<16x32xf32, #tpu.memory_space<hbm>>
            %dma_wait3A_85 = arith.constant 0 : i32
            %dma_wait3A_86 = arith.constant 0 : i32
            %dma_wait3A_87 = tpu.memref_slice %arg14[%dma_wait3A_85, %dma_wait3A_86] : memref<128x32xf32, #tpu.memory_space<vmem>> -> memref<16x32xf32, #tpu.memory_space<vmem>>
            tpu.wait_dma2 semaphore(%run_scoped3A : memref<!tpu.dma_semaphore, #tpu.memory_space<semaphore_mem>>) src(%dma_wait3A_87 : memref<16x32xf32, #tpu.memory_space<vmem>>) dst(%dma_wait3A_84 : memref<16x32xf32, #tpu.memory_space<hbm>>)
            tpu.yield
          }) : () -> ()
        } else {
        }
      } else {
      }
    }
    %scan3A_25 = arith.constant 5 : i32
    return
  }
}

module attributes {stable_mosaic.version = 14 : i64} {
  func.func @body(%arg0: memref<10240x128xf32, #tpu.memory_space<vmem>>, %arg1: memref<10000x128xf32, #tpu.memory_space<vmem>>, %arg2: memref<128x64xf32, #tpu.memory_space<vmem>>, %arg3: memref<10240x128xf32, #tpu.memory_space<vmem>>) attributes {dimension_semantics = [], scalar_prefetch = 0 : i64, scratch_operands = 0 : i64, tpu.core_type = #tpu.core_type<tc>} {
    %get3A = arith.constant 0 : index
    %get3A_0 = arith.constant 0 : index
    %get3A_1 = vector.load %arg0[%get3A, %get3A_0] : memref<10240x128xf32, #tpu.memory_space<vmem>>, vector<10240x1xf32>
    %get3A_2 = arith.constant 0 : index
    %get3A_3 = arith.constant 16 : index
    %get3A_4 = vector.load %arg0[%get3A_2, %get3A_3] : memref<10240x128xf32, #tpu.memory_space<vmem>>, vector<10240x1xf32>
    %add3A = arith.addf %get3A_1, %get3A_4 : vector<10240x1xf32>
    %add3A_5 = arith.constant 1.000000e+00 : f32
    %add3A_6 = vector.broadcast %add3A_5 : f32 to vector<10240x1xf32>
    %add3A_7 = arith.addf %add3A, %add3A_6 : vector<10240x1xf32>
    %rsqrt3A = math.rsqrt %add3A_7 : vector<10240x1xf32>
    %get3A_8 = arith.constant 0 : index
    %get3A_9 = arith.constant 0 : index
    %get3A_10 = vector.load %arg1[%get3A_8, %get3A_9] : memref<10000x128xf32, #tpu.memory_space<vmem>>, vector<10000x128xf32>
    %get3A_11 = arith.constant 0 : index
    %get3A_12 = arith.constant 0 : index
    %get3A_13 = vector.load %arg2[%get3A_11, %get3A_12] : memref<128x64xf32, #tpu.memory_space<vmem>>, vector<128x64xf32>
    %dot_general3A = arith.constant dense<0.000000e+00> : vector<10000x64xf32>
    %dot_general3A_14 = tpu.matmul %get3A_10, %get3A_13, %dot_general3A {dimension_numbers = #tpu.dot_dimension_numbers<[1], [0], [0], [1], [0, 0, 1, 1], [], []>, precision = #tpu.contract_precision<fp32>, transpose_lhs_hint = false} : vector<10000x128xf32>, vector<128x64xf32>, vector<10000x64xf32> -> vector<10000x64xf32>
    %slice3A = vector.extract_strided_slice %rsqrt3A {offsets = [0, 0], sizes = [10000, 1], strides = [1, 1]} : vector<10240x1xf32> to vector<10000x1xf32>
    %mul3A = vector.broadcast %slice3A : vector<10000x1xf32> to vector<10000x64xf32>
    %mul3A_15 = arith.mulf %dot_general3A_14, %mul3A : vector<10000x64xf32>
    %swap3A = arith.constant 0 : index
    %swap3A_16 = arith.constant 0 : index
    %swap3A_17 = vector.load %arg3[%swap3A, %swap3A_16] : memref<10240x128xf32, #tpu.memory_space<vmem>>, vector<10000x64xf32>
    tpu.vector_store %arg3[%swap3A, %swap3A_16], %mul3A_15 {strides = array<i32>} : memref<10240x128xf32, #tpu.memory_space<vmem>>, vector<10000x64xf32>,
    %broadcast_in_dim3A = arith.constant 0.000000e+00 : f32
    %broadcast_in_dim3A_18 = vector.broadcast %broadcast_in_dim3A : f32 to vector<240x64xf32>
    %swap3A_19 = arith.constant 10000 : index
    %swap3A_20 = arith.constant 0 : index
    %swap3A_21 = vector.load %arg3[%swap3A_19, %swap3A_20] : memref<10240x128xf32, #tpu.memory_space<vmem>>, vector<240x64xf32>
    tpu.vector_store %arg3[%swap3A_19, %swap3A_20], %broadcast_in_dim3A_18 {strides = array<i32>} : memref<10240x128xf32, #tpu.memory_space<vmem>>, vector<240x64xf32>,
    %broadcast_in_dim3A_22 = vector.shape_cast %rsqrt3A : vector<10240x1xf32> to vector<10240x1xf32>
    %broadcast_in_dim3A_23 = vector.broadcast %broadcast_in_dim3A_22 : vector<10240x1xf32> to vector<10240x16xf32>
    %swap3A_24 = arith.constant 0 : index
    %swap3A_25 = arith.constant 64 : index
    %swap3A_26 = vector.load %arg3[%swap3A_24, %swap3A_25] : memref<10240x128xf32, #tpu.memory_space<vmem>>, vector<10240x16xf32>
    tpu.vector_store %arg3[%swap3A_24, %swap3A_25], %broadcast_in_dim3A_23 {strides = array<i32>} : memref<10240x128xf32, #tpu.memory_space<vmem>>, vector<10240x16xf32>,
    %broadcast_in_dim3A_27 = arith.constant 0.000000e+00 : f32
    %broadcast_in_dim3A_28 = vector.broadcast %broadcast_in_dim3A_27 : f32 to vector<10240x48xf32>
    %swap3A_29 = arith.constant 0 : index
    %swap3A_30 = arith.constant 80 : index
    %swap3A_31 = vector.load %arg3[%swap3A_29, %swap3A_30] : memref<10240x128xf32, #tpu.memory_space<vmem>>, vector<10240x48xf32>
    tpu.vector_store %arg3[%swap3A_29, %swap3A_30], %broadcast_in_dim3A_28 {strides = array<i32>} : memref<10240x128xf32, #tpu.memory_space<vmem>>, vector<10240x48xf32>,
    return
  }
}

module attributes {stable_mosaic.version = 14 : i64} {
  func.func @body(%arg0: memref<10240x128xf32, #tpu.memory_space<vmem>>, %arg1: memref<10240x128xf32, #tpu.memory_space<vmem>>, %arg2: memref<64x64xf32, #tpu.memory_space<vmem>>, %arg3: memref<1x64xf32, #tpu.memory_space<vmem>>, %arg4: memref<10240x128xf32, #tpu.memory_space<vmem>>) attributes {dimension_semantics = [], scalar_prefetch = 0 : i64, scratch_operands = 0 : i64, tpu.core_type = #tpu.core_type<tc>} {
    %get3A = arith.constant 0 : index
    %get3A_0 = arith.constant 0 : index
    %get3A_1 = vector.load %arg0[%get3A, %get3A_0] : memref<10240x128xf32, #tpu.memory_space<vmem>>, vector<10000x64xf32>
    %get3A_2 = arith.constant 0 : index
    %get3A_3 = arith.constant 64 : index
    %get3A_4 = vector.load %arg0[%get3A_2, %get3A_3] : memref<10240x128xf32, #tpu.memory_space<vmem>>, vector<10000x64xf32>
    %add3A = arith.addf %get3A_1, %get3A_4 : vector<10000x64xf32>
    %get3A_5 = arith.constant 0 : index
    %get3A_6 = arith.constant 64 : index
    %get3A_7 = vector.load %arg1[%get3A_5, %get3A_6] : memref<10240x128xf32, #tpu.memory_space<vmem>>, vector<10000x1xf32>
    %get3A_8 = arith.constant 0 : index
    %get3A_9 = arith.constant 0 : index
    %get3A_10 = vector.load %arg1[%get3A_8, %get3A_9] : memref<10240x128xf32, #tpu.memory_space<vmem>>, vector<10000x64xf32>
    %add3A_11 = arith.addf %add3A, %get3A_10 : vector<10000x64xf32>
    %mul3A = vector.broadcast %get3A_7 : vector<10000x1xf32> to vector<10000x64xf32>
    %mul3A_12 = arith.mulf %mul3A, %add3A_11 : vector<10000x64xf32>
    %get3A_13 = arith.constant 0 : index
    %get3A_14 = arith.constant 0 : index
    %get3A_15 = vector.load %arg3[%get3A_13, %get3A_14] : memref<1x64xf32, #tpu.memory_space<vmem>>, vector<1x64xf32>
    %add3A_16 = vector.broadcast %get3A_15 : vector<1x64xf32> to vector<10000x64xf32>
    %add3A_17 = arith.addf %mul3A_12, %add3A_16 : vector<10000x64xf32>
    %max3A = arith.constant 0.000000e+00 : f32
    %max3A_18 = vector.broadcast %max3A : f32 to vector<10000x64xf32>
    %max3A_19 = arith.maximumf %add3A_17, %max3A_18 : vector<10000x64xf32>
    %get3A_20 = arith.constant 0 : index
    %get3A_21 = arith.constant 0 : index
    %get3A_22 = vector.load %arg2[%get3A_20, %get3A_21] : memref<64x64xf32, #tpu.memory_space<vmem>>, vector<64x64xf32>
    %dot_general3A = arith.constant dense<0.000000e+00> : vector<10000x64xf32>
    %dot_general3A_23 = tpu.matmul %max3A_19, %get3A_22, %dot_general3A {dimension_numbers = #tpu.dot_dimension_numbers<[1], [0], [0], [1], [0, 0, 1, 1], [], []>, precision = #tpu.contract_precision<fp32>, transpose_lhs_hint = false} : vector<10000x64xf32>, vector<64x64xf32>, vector<10000x64xf32> -> vector<10000x64xf32>
    %mul3A_24 = vector.broadcast %get3A_7 : vector<10000x1xf32> to vector<10000x64xf32>
    %mul3A_25 = arith.mulf %dot_general3A_23, %mul3A_24 : vector<10000x64xf32>
    %swap3A = arith.constant 0 : index
    %swap3A_26 = arith.constant 0 : index
    %swap3A_27 = vector.load %arg4[%swap3A, %swap3A_26] : memref<10240x128xf32, #tpu.memory_space<vmem>>, vector<10000x64xf32>
    tpu.vector_store %arg4[%swap3A, %swap3A_26], %mul3A_25 {strides = array<i32>} : memref<10240x128xf32, #tpu.memory_space<vmem>>, vector<10000x64xf32>,
    %broadcast_in_dim3A = arith.constant 0.000000e+00 : f32
    %broadcast_in_dim3A_28 = vector.broadcast %broadcast_in_dim3A : f32 to vector<240x64xf32>
    %swap3A_29 = arith.constant 10000 : index
    %swap3A_30 = arith.constant 0 : index
    %swap3A_31 = vector.load %arg4[%swap3A_29, %swap3A_30] : memref<10240x128xf32, #tpu.memory_space<vmem>>, vector<240x64xf32>
    tpu.vector_store %arg4[%swap3A_29, %swap3A_30], %broadcast_in_dim3A_28 {strides = array<i32>} : memref<10240x128xf32, #tpu.memory_space<vmem>>, vector<240x64xf32>,
    %broadcast_in_dim3A_32 = arith.constant 0.000000e+00 : f32
    %broadcast_in_dim3A_33 = vector.broadcast %broadcast_in_dim3A_32 : f32 to vector<10240x64xf32>
    %swap3A_34 = arith.constant 0 : index
    %swap3A_35 = arith.constant 64 : index
    %swap3A_36 = vector.load %arg4[%swap3A_34, %swap3A_35] : memref<10240x128xf32, #tpu.memory_space<vmem>>, vector<10240x64xf32>
    tpu.vector_store %arg4[%swap3A_34, %swap3A_35], %broadcast_in_dim3A_33 {strides = array<i32>} : memref<10240x128xf32, #tpu.memory_space<vmem>>, vector<10240x64xf32>,
    return
  }
}

</mosaic_0001>

<sc_bundles>
// kernel: kernel.10.cloned.1.call-start
scs
__scs_entry_jumppad:
0x0: {  	(pc) =	sbr.rel $0x88, $3  }
0x1: {  	(tag) =	ssettag $0x0;
	lr =	simm.s32 $0x1  }
0x2: {  	[smem:$0x3F99] =	sst lr;
	_ =	strace $0xD0000000  }
0x3: {  	_ = 	snop  }
0x4: {  	_ = 	snop  }
0x5: {  	_ = 	snop  }
0x6: {  	_ = 	snop  }
0x7: {  	_ = 	snop  }
__scs_overlays_trampoline_lowered:
0x8: {  	[smem:$0x3FA8] =	sst s0  }
0x9: {  	[smem:$0x3FA9] =	sst s1  }
0xa: {  	[smem:$0x3FAA] =	sst s2  }
0xb: {  	[smem:$0x3FAB] =	sst s3  }
0xc: {  	[smem:$0x3FAC] =	sst s4  }
0xd: {  	[smem:$0x3FAD] =	sst s5  }
0xe: {  	[smem:$0x3FAE] =	sst s6  }
0xf: {  	[smem:$0x3FAF] =	sst s7  }
0x10: {  	[smem:$0x3FB0] =	sst s8  }
0x11: {  	[smem:$0x3FB1] =	sst s9;
	s0 =	simm.s32 @!p0 $0x0  }
0x12: {  	s1 =	sld [smem:$0x3F97];
	s0 =	simm.s32 @p0 $0x1  }
0x13: {  	[smem:$0x3FB2] =	sst s0;
	s0 =	simm.s32 @!p1 $0x0  }
0x14: {  	s2 =	sld [smem:$0x3F96];
	s0 =	simm.s32 @p1 $0x1  }
0x15: {  	[smem:$0x3FB3] =	sst s0;
	s0 =	simm.s32 @!p2 $0x0  }
0x16: {  	s3 =	sld [smem:$0x3FDB];
	s0 =	simm.s32 @p2 $0x1  }
0x17: {  	s4 =	simm.s32 $0x1BF5;
	[smem:$0x3FB5] =	sst s0  }
0x18: {  	s0 =	sld [smem:$0x3F98];
	_ =	swait.ge [sflag:s4], $0x0  }
0x19: {  	s7 =	sld [smem:$0x3F99]  }
0x1a: {  	s8 =	sadd.s32 $0xFFFFE003, lr  }
0x1b: {  	s9 =	sadd.s32 $0xFFFFFEF7, lr;
	s5 =	simm.s32 $0xFFFFFFFF;
	p2 =	slt.u32 s8, $0xFFFFF086  }
0x1c: {  	p1 =	slt.u32 s9, $0xF7A;
	s5 =	simm.s32 @!p2 $0x0  }
0x1d: {  	s5 =	simm.s32 @p1 $0x1;
	p0 =	seq.s32 s7, s2  }
0x1e: {  	s7 =	smul.u32 @!p0 $0xF7A, s2;
	p2 =	seq.s32 @!p0 s5, $0x0  }
0x1f: {  	s9 =	smul.u32 $0xF7A, s1;
	s8 =	simm.s32 @!p0 $0x1BF5;
	p2 =	por !p2, p0  }
0x20: {  	[sflag:s8] =	ssyncset.s32 @!p0 $0xFFFFF086;
	s6 =	sadd.s32 @!p0 s3, s7;
	s7 =	simm.s32 @!p0 $0x108  }
0x21: {  	s3 =	sadd.s32 s3, s9;
	s6 =	sadd.s32 @!p0 $0x88, s6;
	s7 =	simm.s32 @p2 $0x1082  }
0x22: {  	[simem:s7], [sflag:s8] =	dma.local @!p0 [hbm:s6], $0xF7A  }
0x23: {  	s9 =	sor.u32 $0xD0000000, s2;
	s6 =	simm.s32 $0x108;
	_ =	swait.ge @!p0 [sflag:s8], $0x0  }
0x24: {  	s3 =	sadd.s32 $0x88, s3;
	s6 =	simm.s32 @!p1 $0x1082;
	[sflag:s4] =	ssyncset.s32 $0xFFFFF086  }
0x25: {  	[simem:s6], [sflag:s4] =	dma.local [hbm:s3], $0xF7A  }
0x26: {  	[smem:$0x3F99] =	sst s1;
	(tag) =	ssettag s2;
	_ =	strace s9  }
0x27: {  	s1 =	sld [smem:$0x3FA9]  }
0x28: {  	s2 =	sld [smem:$0x3FAA]  }
0x29: {  	s4 =	sld [smem:$0x3FAC]  }
0x2a: {  	p0 =	seq.s32 s5, $0x0;
	s5 =	sld [smem:$0x3FAD]  }
0x2b: {  	s6 =	sld [smem:$0x3FAE]  }
0x2c: {  	s7 =	sld [smem:$0x3FAF]  }
0x2d: {  	s3 =	simm.s32 $0x108;
	s8 =	sld [smem:$0x3FB0]  }
0x2e: {  	s3 =	simm.s32 @!p0 $0x1082;
	s9 =	sld [smem:$0x3FB1]  }
0x2f: {  	lr =	sadd.s32 s0, s3;
	s0 =	sld [smem:$0x3FA8]  }
0x30: {  	s3 =	sld [smem:$0x3FAB]  }
0x31: {  	[smem:$0x3FB4] =	sst s10  }
0x32: {  	s10 =	sld [smem:$0x3FB2];
	_ =	sdelay $0x3  }
0x33: {  	p0 =	seq.s32 s10, $0x1;
	s10 =	sld [smem:$0x3FB4];
	_ =	sdelay $0x3  }
0x34: {  	[smem:$0x3FB4] =	sst s10  }
0x35: {  	s10 =	sld [smem:$0x3FB3];
	_ =	sdelay $0x3  }
0x36: {  	p1 =	seq.s32 s10, $0x1;
	s10 =	sld [smem:$0x3FB4];
	_ =	sdelay $0x3  }
0x37: {  	[smem:$0x3FB4] =	sst s10  }
0x38: {  	s10 =	sld [smem:$0x3FB5]  }
0x39: {  	_ = 	snop;
	(pc) =	sbr.ind lr, $3  }
0x3a: {  	_ = 	snop  }
0x3b: {  	_ = 	snop  }
0x3c: {  	p2 =	seq.s32 s10, $0x1;
	s10 =	sld [smem:$0x3FB4]  }
0x3d: {  	_ =	shalt  }
0x3e: {  	_ =	shalt  }
0x3f: {  	_ =	shalt  }
0x40: {  	_ =	shalt  }
0x41: {  	_ =	shalt  }
0x42: {  	_ =	shalt  }
0x43: {  	_ =	shalt  }
0x44: {  	_ =	shalt  }
0x45: {  	_ =	shalt  }
0x46: {  	_ =	shalt  }
0x47: {  	_ =	shalt  }
0x48: {  	_ =	shalt  }
0x49: {  	_ =	shalt  }
0x4a: {  	_ =	shalt  }
0x4b: {  	_ =	shalt  }
0x4c: {  	_ =	shalt  }
0x4d: {  	_ =	shalt  }
0x4e: {  	_ =	shalt  }
0x4f: {  	_ =	shalt  }
0x50: {  	_ =	shalt  }
0x51: {  	_ =	shalt  }
0x52: {  	_ =	shalt  }
0x53: {  	_ =	shalt  }
0x54: {  	_ =	shalt  }
0x55: {  	_ =	shalt  }
0x56: {  	_ =	shalt  }
0x57: {  	_ =	shalt  }
0x58: {  	_ =	shalt  }
0x59: {  	_ =	shalt  }
0x5a: {  	_ =	shalt  }
0x5b: {  	_ =	shalt  }
0x5c: {  	_ =	shalt  }
0x5d: {  	_ =	shalt  }
0x5e: {  	_ =	shalt  }
0x5f: {  	_ =	shalt  }
0x60: {  	_ =	shalt  }
0x61: {  	_ =	shalt  }
0x62: {  	_ =	shalt  }
0x63: {  	_ =	shalt  }
0x64: {  	_ =	shalt  }
0x65: {  	_ =	shalt  }
0x66: {  	_ =	shalt  }
0x67: {  	_ =	shalt  }
0x68: {  	_ =	shalt  }
0x69: {  	_ =	shalt  }
0x6a: {  	_ =	shalt  }
0x6b: {  	_ =	shalt  }
0x6c: {  	_ =	shalt  }
0x6d: {  	_ =	shalt  }
0x6e: {  	_ =	shalt  }
0x6f: {  	_ =	shalt  }
0x70: {  	_ =	shalt  }
0x71: {  	_ =	shalt  }
0x72: {  	_ =	shalt  }
0x73: {  	_ =	shalt  }
0x74: {  	_ =	shalt  }
0x75: {  	_ =	shalt  }
0x76: {  	_ =	shalt  }
0x77: {  	_ =	shalt  }
0x78: {  	_ =	shalt  }
0x79: {  	_ =	shalt  }
0x7a: {  	_ =	shalt  }
0x7b: {  	_ =	shalt  }
0x7c: {  	_ =	shalt  }
0x7d: {  	_ =	shalt  }
0x7e: {  	_ =	shalt  }
0x7f: {  	_ =	shalt  }
0x80: {  	_ =	shalt  }
0x81: {  	_ =	shalt  }
0x82: {  	_ =	shalt  }
0x83: {  	_ =	shalt  }
0x84: {  	_ =	shalt  }
0x85: {  	_ =	shalt  }
0x86: {  	_ =	shalt  }
0x87: {  	_ =	shalt  }
.Lfunc_end0:
.L_simem_size_0:
called_computation.1_lowered:
.L_overlay_start_0:
0x88: {  	s2 =	sld [smem:$0x3FD9]  }
0x89: {  	s3 =	sld [smem:$0x3FFE];
	_ =	sdelay $0x1  }
0x8a: {  	s1 =	srdreg.scid  }
0x8b: {  	s0 =	sand.u32 $0x1, s1  }
0x8c: {  	s16 =	sshll.u32 s0, $0xA;
	s2 =	sadd.s32 s3, s2  }
0x8d: {  	s2 =	sadd.s32 s2, s16  }
0x8e: {  	[smem:$0x3FC0] =	sst s2  }
0x8f: {  	_ = 	snop  }
0x90: {  	(tm) =	ssettm $0x1  }
0x91: {  	s17 =	sld [smem:$0x3FFB];
	_ =	sdelay $0x3  }
0x92: {  	_ =	strace s17  }
0x93: {  	s2 =	sld [smem:$0x3FFC];
	_ =	sdelay $0x3  }
0x94: {  	_ =	strace s2  }
0x95: {  	s2 =	sld [smem:$0x3FFD];
	_ =	sdelay $0x3  }
0x96: {  	_ =	strace s2  }
0x97: {  	_ =	strace $0x8FFFFFFF  }
0x98: {  	s18 =	sld [smem:$0x3FDB];
	_ =	sdelay $0x1  }
0x99: {  	s19 =	simm.s32 $_scs_section_size  }
0x9a: {  	s4 =	simm.s32 $_size__tile_overlayer_lowered;
	s5 =	simm.s32 $_tile_overlayer_lowered  }
0x9b: {  	s22 =	simm.s32 $0x1BFF;
	s21 =	sshll.u32 s5, $0x1;
	s2 =	sadd.s32 s19, s18  }
0x9c: {  	s6 =	simm.s32 $0x0;
	s20 =	sshll.u32 s4, $0x1;
	s4 =	sadd.s32 s21, s2  }
0x9d: {  	[timem:s6], [sflag:s22] =	dma.local [hbm:s4], s20  }
0x9e: {  	_ =	swait.ge [sflag:s22], s20  }
0x9f: {  	s3 =	ssub.s32 $0x0, s20;
	[sflag:s22] =	ssyncset.done $0x0  }
0xa0: {  	[sflag:s22] =	ssyncadd.s32 s3;
	_ =	sdelay $0x1  }
0xa1: {  	s23 =	simm.s32 $0x1B8B  }
0xa2: {  	_ =	swait.ge [sflag:s23], $0x1  }
0xa3: {  	[sflag:s23] =	ssyncset.done $0x0  }
0xa4: {  	s25 =	simm.s32 $0x1B8E;
	s24 =	sld [smem:$0x3FFE];
	[sflag:s23] =	ssyncadd.s32 $0xFFFFFFFF  }
0xa5: {  	s26 =	simm.s32 $execute0_lowered;
	[smem:$0x3FD2] =	sst s25  }
0xa6: {  	s4 =	sshll.u32 s26, $0x1;
	_ =	strace $0x80000049;
	[dreg:$0x1] =	wrdreg $0xFFFFFFFF  }
0xa7: {  	s28 =	simm.s32 $_size_execute0_lowered;
	s2 =	sadd.s32 s2, s4;
	[dreg:$0x0] =	wrdreg $0x0  }
0xa8: {  	s4 =	sshll.u32 s28, $0x1;
	[dreg:$0x2] =	wrdreg s2  }
0xa9: {  	[dreg:$0x3] =	wrdreg s4  }
0xaa: {  	[dreg:$0x4] =	wrdreg $0xC0  }
0xab: {  	_ =	task [dreg:s6], $0x5FFFF  }
0xac: {  	[dreg:$0x1] =	wrdreg $0xFFFFFFFF  }
0xad: {  	[dreg:$0x0] =	wrdreg $0x60  }
0xae: {  	[dreg:$0x2] =	wrdreg s24  }
0xaf: {  	[dreg:$0x3] =	wrdreg $0x130000  }
0xb0: {  	[dreg:$0x4] =	wrdreg $0x90000  }
0xb1: {  	[dreg:$0x5] =	wrdreg $0x9  }
0xb2: {  	_ =	task.clear_ibuf [dreg:s6], $0x6FFFF;
	_ =	strace $0x90000049  }
0xb3: {  	s29 =	simm.s32 $0x9;
	_ =	strace $0x8000004B  }
0xb4: {  	_ =	swait.ge [sflag:s29], $0x1  }
0xb5: {  	[sflag:s29] =	ssyncadd.s32 $0xFFFFFFFF  }
0xb6: {  	_ =	strace $0x9000004B  }
0xb7: {  	_ =	sfence  }
0xb8: {  	s30 =	sld [smem:$0x0];
	_ =	sdelay $0x2  }
0xb9: {  	s31 =	sshll.u32 s1, $0xD;
	s1 =	sshrl.u32 s1, $0x2  }
0xba: {  	s3 =	sand.u32 $0x4000, s31;
	s1 =	sadd.s32 s1, s30  }
0xbb: {  	s0 =	sor.u32 s3, s0;
	s1 =	sshll.u32 s1, $0x11  }
0xbc: {  	s0 =	sor.u32 s1, s0  }
0xbd: {  	s0 =	sadd.s32 $0x8F2B, s0  }
0xbe: {  	[sflag:s0] =	ssyncadd.remote.s32 $0x1  }
0xbf: {  	_ =	sfence.sel $0xFFFF  }
0xc0: {  	[dreg:$0x0] =	wrdreg $0xFFFFFFFF;
	(pc) =	sbr.abs _section_cstart, $3  }
0xc1: {  	[dreg:$0x1] =	wrdreg $0xFFFFFFFF  }
0xc2: {  	_ =	task.clear_ibuf [dreg:s6], $0x2FFFF;
	_ =	strace $0x9FFFFFFF  }
0xc3: {  	(tm) =	ssettm $0x7FFFFFFF  }
tec
execute0_lowered:
.L_overlay_start_1:
0x0: {  	(tag) =	ssettag $0x1  }
0x1: {  	s5 =	rddreg [dreg:$0x0];
	s0 =	stileid.u32  }
0x2: {  	s1 =	srdreg.scid;
	s2 =	rddreg [dreg:$0x1]  }
0x3: {  	s3 =	rddreg [dreg:$0x2];
	s4 =	simm.s32 $0x0;
	s14 =	simm.s32 $0x3  }
0x4: {  	s19 =	simm.s32 $0x80;
	s20 =	simm.s32 $0x5000;
	s6 =	smul.u32 $0x2710, s0  }
0x5: {  	s21 =	simm.s32 $0x7000;
	s22 =	simm.s32 $0x2;
	s9 =	smul.u32 $0xA000, s0  }
0x6: {  	s23 =	simm.s32 $0x2780;
	s24 =	simm.s32 $0x4F00;
	s10 =	smul.u32 $0x14000, s0  }
0x7: {  	s25 =	simm.s32 $0x4F80;
	s26 =	simm.s32 $0x0;
	s28 =	smul.u32 $0x27100, s0  }
0x8: {  	s7 =	sand.u32 $0x1, s1;
	s1 =	rddreg [dreg:$0x3];
	s17 =	smul.u32 $0x500, s0  }
0x9: {  	[smem:$0x7FF] =	sst s4;
	s31 =	sshll.u32 s0, $0x6;
	s8 =	smul.u32 $0x5000, s7  }
0xa: {  	_ =	strace $0x8000004A;
	s11 =	sshll.u32 s7, $0x6;
	s7 =	ssub.s32 $0x2, s7  }
0xb: {  	s6 =	sadd.s32 s6, s5;
	s12 =	sshrl.u32 s9, $0x3;
	s10 =	sor.u32 s11, s10  }
0xc: {  	s29 =	sshrl.u32 s7, $0x1;
	s30 =	sshrl.u32 s28, $0x2;
	s15 =	sadd.s32 s9, s3  }
0xd: {  	s8 =	sadd.s32 s8, s5;
	s10 =	sshrl.u32 s10, $0x3;
	s12 =	sadd.s32 s12, s5  }
0xe: {  	s13 =	ssub.s32 s7, s29;
	s11 =	sadd.s32 s30, s2;
	s15 =	sshrl.u32 s15, $0x3  }
0xf: {  	s10 =	sadd.s32 s10, s5;
	s5 =	sadd.s32 $0xC800, s6;
	s6 =	sor.u32 $0x1C03, s31  }
0x10: {  	s7 =	sadd.s32 $0x3E800, s12;
	s16 =	sadd.s32 $0x34800, s8;
	s18 =	sadd.s32 $0x2800, s8  }
0x11: {  	s9 =	smax.u32 s13, $0x1;
	s12 =	simm.s32 $0x8;
	s13 =	simm.s32 $0x10  }
0x12: {  	s8 =	sadd.s32 $0x52800, s10;
	s10 =	sshrl.u32 s11, $0x3;
	s11 =	simm.s32 $0x1  }
0x13: {  	s16 =	sadd.s32 s17, s16;
	s17 =	sadd.s32 s17, s18;
	s18 =	simm.s32 $0x2800  }
.LBB2_1:
0x14: {  	[spmem:s10@s12], [sflag:s6] =	dma.strided [hbm:s5@s13], $0x1388, s11, $0x8   }
0x15: {  	_ =	swait.ge [sflag:s14], $0x1388  }
0x16: {  	[sflag:s14] =	ssyncset.done $0x0  }
0x17: {  	[sflag:s14] =	ssyncadd.s32 $0xFFFFEC78  }
0x18: {  	[spmem:s15], [sflag:s6] =	dma.local [hbm:s7], $0x1400  }
0x19: {  	_ =	swait.ge [sflag:s14], $0x1400  }
0x1a: {  	[sflag:s14] =	ssyncset.done $0x0  }
0x1b: {  	[sflag:s14] =	ssyncadd.s32 $0xFFFFEC00  }
0x1c: {  	[tilespmem:s4], [sflag:$0x3] =	stream.linear.gather [hbm4b:s16+s4], $0x2800, $0x38;
	[tilespmem:$0x1CC40] =	vst v63  }
0x1d: {  	_ =	swait.ge [sflag:s14], $0x2800  }
0x1e: {  	[sflag:s14] =	ssyncset.done $0x0  }
0x1f: {  	[sflag:s14] =	ssyncadd.s32 $0xFFFFD800  }
0x20: {  	[tilespmem:s18], [sflag:$0x3] =	stream.linear.gather [hbm4b:s17+s4], $0x2800, $0x38;
	[tilespmem:$0x1CC40] =	vst v63  }
0x21: {  	_ =	swait.ge [sflag:s14], $0x2800  }
0x22: {  	[sflag:s14] =	ssyncset.done $0x0  }
0x23: {  	[sflag:s14] =	ssyncadd.s32 $0xFFFFD800  }
0x24: {  	[bflag:$0x0] =	sbarrier.arrive $0xFFFF  }
0x25: {  	[tilespmem:s20], [sflag:$0x1] =	stream.indirect.gather [spmem:s2], $0x40, s4, s19, $0xb8;
	[tilespmem:$0x1CC40] =	vst v63  }
0x26: {  	_ =	swait.ge [sflag:s11], $0x2000  }
0x27: {  	[sflag:s11] =	ssyncset.done $0x0  }
0x28: {  	s28 =	simm.s32 $0x80;
	[sflag:s11] =	ssyncadd.s32 $0xFFFFE000  }
0x29: {  	[tilespmem:s21], [sflag:$0x2] =	stream.indirect.gather [spmem:s2], $0x40, s28, s19, $0xb8;
	[tilespmem:$0x1CC40] =	vst v63  }
0x2a: {  	s28 =	simm.s32 $0x2800  }
0x2b: {  	[spmem:s3] =	stream.indirect.scatter.add.f32 [tilespmem:s20], [sflag:$0x3], $0x40, s28, s19, $0xb8;
	[tilespmem:$0x1CC40] =	vst v63  }
0x2c: {  	_ =	swait.ge [sflag:s14], $0x2000  }
0x2d: {  	[sflag:s14] =	ssyncset.done $0x0  }
0x2e: {  	[sflag:s14] =	ssyncadd.s32 $0xFFFFE000  }
0x2f: {  	_ =	swait.ge [sflag:s22], $0x2000  }
0x30: {  	[sflag:s22] =	ssyncset.done $0x0  }
0x31: {  	s28 =	simm.s32 $0x100;
	[sflag:s22] =	ssyncadd.s32 $0xFFFFE000  }
0x32: {  	[tilespmem:s20], [sflag:$0x1] =	stream.indirect.gather [spmem:s2], $0x40, s28, s19, $0xb8;
	[tilespmem:$0x1CC40] =	vst v63  }
0x33: {  	s28 =	simm.s32 $0x2880  }
0x34: {  	[spmem:s3] =	stream.indirect.scatter.add.f32 [tilespmem:s21], [sflag:$0x3], $0x40, s28, s19, $0xb8;
	[tilespmem:$0x1CC40] =	vst v63  }
0x35: {  	_ =	swait.ge [sflag:s14], $0x2000  }
0x36: {  	s28 =	simm.s32 $0x400;
	[sflag:s14] =	ssyncset.done $0x0  }
.LBB2_2:
0x37: {  	p0 =	sne.s32 s28, $0x9800  }
0x38: {  	[sflag:s14] =	ssyncadd.s32 $0xFFFFE000;
	s29 =	smov.u32 s28;
	s28 =	sadd.s32 $0x400, s28  }
0x39: {  	_ = 	snop  }
0x3a: {  	_ =	swait.ge [sflag:s11], $0x2000  }
0x3b: {  	s29 =	sshra.s32 s29, $0x2;
	[sflag:s11] =	ssyncset.done $0x0  }
0x3c: {  	s30 =	sadd.s32 $0x80, s29;
	[sflag:s11] =	ssyncadd.s32 $0xFFFFE000  }
0x3d: {  	[tilespmem:s21], [sflag:$0x2] =	stream.indirect.gather [spmem:s2], $0x40, s30, s19, $0xb8;
	[tilespmem:$0x1CC40] =	vst v63  }
0x3e: {  	s30 =	sadd.s32 $0x2800, s29  }
0x3f: {  	[spmem:s3] =	stream.indirect.scatter.add.f32 [tilespmem:s20], [sflag:$0x3], $0x40, s30, s19, $0xb8;
	[tilespmem:$0x1CC40] =	vst v63  }
0x40: {  	_ =	swait.ge [sflag:s14], $0x2000  }
0x41: {  	[sflag:s14] =	ssyncset.done $0x0  }
0x42: {  	[sflag:s14] =	ssyncadd.s32 $0xFFFFE000  }
0x43: {  	_ =	swait.ge [sflag:s22], $0x2000  }
0x44: {  	[sflag:s22] =	ssyncset.done $0x0  }
0x45: {  	s30 =	sadd.s32 $0x100, s29;
	[sflag:s22] =	ssyncadd.s32 $0xFFFFE000  }
0x46: {  	[tilespmem:s20], [sflag:$0x1] =	stream.indirect.gather [spmem:s2], $0x40, s30, s19, $0xb8;
	[tilespmem:$0x1CC40] =	vst v63  }
.Ltmp0:
0x47: {  	_ = 	snop;
	(pc) =	sbr.rel @p0 .LBB2_2-.Ltmp0, $4  }
0x48: {  	s29 =	sadd.s32 $0x2880, s29  }
0x49: {  	[spmem:s3] =	stream.indirect.scatter.add.f32 [tilespmem:s21], [sflag:$0x3], $0x40, s29, s19, $0xb8;
	[tilespmem:$0x1CC40] =	vst v63  }
0x4a: {  	_ =	swait.ge [sflag:s14], $0x2000  }
0x4b: {  	[sflag:s14] =	ssyncset.done $0x0  }
0x4c: {  	[sflag:s14] =	ssyncadd.s32 $0xFFFFE000  }
0x4d: {  	_ =	swait.ge [sflag:s11], $0x2000  }
0x4e: {  	[sflag:s11] =	ssyncset.done $0x0  }
0x4f: {  	[sflag:s11] =	ssyncadd.s32 $0xFFFFE000  }
0x50: {  	[tilespmem:s21], [sflag:$0x2] =	stream.indirect.gather [spmem:s2], $0x40, s23, s19, $0xb8;
	[tilespmem:$0x1CC40] =	vst v63  }
0x51: {  	_ = 	snop  }
0x52: {  	[spmem:s3] =	stream.indirect.scatter.add.f32 [tilespmem:s20], [sflag:$0x3], $0x40, s24, s19, $0xb8;
	[tilespmem:$0x1CC40] =	vst v63  }
0x53: {  	_ =	swait.ge [sflag:s14], $0x2000  }
0x54: {  	[sflag:s14] =	ssyncset.done $0x0  }
0x55: {  	[sflag:s14] =	ssyncadd.s32 $0xFFFFE000  }
0x56: {  	_ =	swait.ge [sflag:s22], $0x2000  }
0x57: {  	[sflag:s22] =	ssyncset.done $0x0  }
0x58: {  	[sflag:s22] =	ssyncadd.s32 $0xFFFFE000  }
0x59: {  	[spmem:s3] =	stream.indirect.scatter.add.f32 [tilespmem:s21], [sflag:$0x3], $0x40, s25, s19, $0xb8;
	[tilespmem:$0x1CC40] =	vst v63  }
0x5a: {  	_ =	swait.ge [sflag:s14], $0x2000  }
0x5b: {  	s26 =	sadd.s32 $0x1, s26;
	[sflag:s14] =	ssyncset.done $0x0  }
0x5c: {  	p0 =	sne.s32 s26, s9;
	[sflag:s14] =	ssyncadd.s32 $0xFFFFE000  }
.Ltmp1:
0x5d: {  	[bflag:$0x0] =	sbarrier.arrive $0xFFFF;
	(pc) =	sbr.rel @p0 .LBB2_1-.Ltmp1, $4  }
0x5e: {  	[hbm:s8@s13], [sflag:s6] =	dma.strided [spmem:s15@s12], $0x1400, s11, $0x8   }
0x5f: {  	_ =	swait.ge [sflag:s14], $0x1400  }
0x60: {  	[sflag:s14] =	ssyncset.done $0x0  }
0x61: {  	[sflag:s14] =	ssyncadd.s32 $0xFFFFEC00  }
0x62: {  	_ =	sfence.sel $0x180000  }
0x63: {  	[bflag:$0x0] =	sbarrier.arrive $0xFFFF  }
0x64: {  	p0 =	sne.s32 s0, $0x0;
	_ =	strace $0x9000004A  }
0x65: {  	s0 =	sadd.s32 @!p0 $0x100000, s1;
	[bflag:$0x2] =	sbarrier.arrive $0xFFFF  }
0x66: {  	[sflag:s0] =	ssyncadd.tile.s32 @!p0 $0x1;
	_ =	shalt  }
.Lfunc_end2:
_tile_overlayer_lowered:
.L_overlay_start_2:
0x67: {  	(tag) =	ssettag $0x2  }
0x68: {  	s0 =	rddreg [dreg:$0x0];
	s2 =	stileid.u32  }
0x69: {  	s1 =	rddreg [dreg:$0x1];
	p0 =	sne.s32 s2, $0x0  }
0x6a: {  	s3 =	rddreg [dreg:$0x2];
	[bflag:$0x3] =	sbarrier.arrive $0xFFFF;
	s2 =	simm.s32 @!p0 $0x1C03  }
0x6b: {  	[timem:s3], [sflag:s2] =	dma.local @!p0 [hbm:s0], s1  }
0x6c: {  	s0 =	simm.s32 @!p0 $0x3  }
0x6d: {  	_ =	swait.ge @!p0 [sflag:s0], s1  }
0x6e: {  	s1 =	ssub.s32 @!p0 $0x0, s1;
	[sflag:s0] =	ssyncset.done @!p0 $0x0  }
0x6f: {  	[sflag:s0] =	ssyncadd.s32 @!p0 s1  }
0x70: {  	[bflag:$0x3] =	sbarrier.arrive $0xFFFF  }
0x71: {  	_ =	shalt  }

// kernel: kernel.13.cloned.1.call-start
scs
__scs_entry_jumppad:
0x0: {  	(pc) =	sbr.rel $0x88, $3  }
0x1: {  	(tag) =	ssettag $0x0;
	lr =	simm.s32 $0x1  }
0x2: {  	[smem:$0x3F99] =	sst lr;
	_ =	strace $0xD0000000  }
0x3: {  	_ = 	snop  }
0x4: {  	_ = 	snop  }
0x5: {  	_ = 	snop  }
0x6: {  	_ = 	snop  }
0x7: {  	_ = 	snop  }
__scs_overlays_trampoline_lowered:
0x8: {  	[smem:$0x3FA8] =	sst s0  }
0x9: {  	[smem:$0x3FA9] =	sst s1  }
0xa: {  	[smem:$0x3FAA] =	sst s2  }
0xb: {  	[smem:$0x3FAB] =	sst s3  }
0xc: {  	[smem:$0x3FAC] =	sst s4  }
0xd: {  	[smem:$0x3FAD] =	sst s5  }
0xe: {  	[smem:$0x3FAE] =	sst s6  }
0xf: {  	[smem:$0x3FAF] =	sst s7  }
0x10: {  	[smem:$0x3FB0] =	sst s8  }
0x11: {  	[smem:$0x3FB1] =	sst s9;
	s0 =	simm.s32 @!p0 $0x0  }
0x12: {  	s1 =	sld [smem:$0x3F97];
	s0 =	simm.s32 @p0 $0x1  }
0x13: {  	[smem:$0x3FB2] =	sst s0;
	s0 =	simm.s32 @!p1 $0x0  }
0x14: {  	s2 =	sld [smem:$0x3F96];
	s0 =	simm.s32 @p1 $0x1  }
0x15: {  	[smem:$0x3FB3] =	sst s0;
	s0 =	simm.s32 @!p2 $0x0  }
0x16: {  	s3 =	sld [smem:$0x3FDB];
	s0 =	simm.s32 @p2 $0x1  }
0x17: {  	s4 =	simm.s32 $0x1BF5;
	[smem:$0x3FB5] =	sst s0  }
0x18: {  	s0 =	sld [smem:$0x3F98];
	_ =	swait.ge [sflag:s4], $0x0  }
0x19: {  	s7 =	sld [smem:$0x3F99]  }
0x1a: {  	s8 =	sadd.s32 $0xFFFFE003, lr  }
0x1b: {  	s9 =	sadd.s32 $0xFFFFFEF7, lr;
	s5 =	simm.s32 $0xFFFFFFFF;
	p2 =	slt.u32 s8, $0xFFFFF086  }
0x1c: {  	p1 =	slt.u32 s9, $0xF7A;
	s5 =	simm.s32 @!p2 $0x0  }
0x1d: {  	s5 =	simm.s32 @p1 $0x1;
	p0 =	seq.s32 s7, s2  }
0x1e: {  	s7 =	smul.u32 @!p0 $0xF7A, s2;
	p2 =	seq.s32 @!p0 s5, $0x0  }
0x1f: {  	s9 =	smul.u32 $0xF7A, s1;
	s8 =	simm.s32 @!p0 $0x1BF5;
	p2 =	por !p2, p0  }
0x20: {  	[sflag:s8] =	ssyncset.s32 @!p0 $0xFFFFF086;
	s6 =	sadd.s32 @!p0 s3, s7;
	s7 =	simm.s32 @!p0 $0x108  }
0x21: {  	s3 =	sadd.s32 s3, s9;
	s6 =	sadd.s32 @!p0 $0x88, s6;
	s7 =	simm.s32 @p2 $0x1082  }
0x22: {  	[simem:s7], [sflag:s8] =	dma.local @!p0 [hbm:s6], $0xF7A  }
0x23: {  	s9 =	sor.u32 $0xD0000000, s2;
	s6 =	simm.s32 $0x108;
	_ =	swait.ge @!p0 [sflag:s8], $0x0  }
0x24: {  	s3 =	sadd.s32 $0x88, s3;
	s6 =	simm.s32 @!p1 $0x1082;
	[sflag:s4] =	ssyncset.s32 $0xFFFFF086  }
0x25: {  	[simem:s6], [sflag:s4] =	dma.local [hbm:s3], $0xF7A  }
0x26: {  	[smem:$0x3F99] =	sst s1;
	(tag) =	ssettag s2;
	_ =	strace s9  }
0x27: {  	s1 =	sld [smem:$0x3FA9]  }
0x28: {  	s2 =	sld [smem:$0x3FAA]  }
0x29: {  	s4 =	sld [smem:$0x3FAC]  }
0x2a: {  	p0 =	seq.s32 s5, $0x0;
	s5 =	sld [smem:$0x3FAD]  }
0x2b: {  	s6 =	sld [smem:$0x3FAE]  }
0x2c: {  	s7 =	sld [smem:$0x3FAF]  }
0x2d: {  	s3 =	simm.s32 $0x108;
	s8 =	sld [smem:$0x3FB0]  }
0x2e: {  	s3 =	simm.s32 @!p0 $0x1082;
	s9 =	sld [smem:$0x3FB1]  }
0x2f: {  	lr =	sadd.s32 s0, s3;
	s0 =	sld [smem:$0x3FA8]  }
0x30: {  	s3 =	sld [smem:$0x3FAB]  }
0x31: {  	[smem:$0x3FB4] =	sst s10  }
0x32: {  	s10 =	sld [smem:$0x3FB2];
	_ =	sdelay $0x3  }
0x33: {  	p0 =	seq.s32 s10, $0x1;
	s10 =	sld [smem:$0x3FB4];
	_ =	sdelay $0x3  }
0x34: {  	[smem:$0x3FB4] =	sst s10  }
0x35: {  	s10 =	sld [smem:$0x3FB3];
	_ =	sdelay $0x3  }
0x36: {  	p1 =	seq.s32 s10, $0x1;
	s10 =	sld [smem:$0x3FB4];
	_ =	sdelay $0x3  }
0x37: {  	[smem:$0x3FB4] =	sst s10  }
0x38: {  	s10 =	sld [smem:$0x3FB5]  }
0x39: {  	_ = 	snop;
	(pc) =	sbr.ind lr, $3  }
0x3a: {  	_ = 	snop  }
0x3b: {  	_ = 	snop  }
0x3c: {  	p2 =	seq.s32 s10, $0x1;
	s10 =	sld [smem:$0x3FB4]  }
0x3d: {  	_ =	shalt  }
0x3e: {  	_ =	shalt  }
0x3f: {  	_ =	shalt  }
0x40: {  	_ =	shalt  }
0x41: {  	_ =	shalt  }
0x42: {  	_ =	shalt  }
0x43: {  	_ =	shalt  }
0x44: {  	_ =	shalt  }
0x45: {  	_ =	shalt  }
0x46: {  	_ =	shalt  }
0x47: {  	_ =	shalt  }
0x48: {  	_ =	shalt  }
0x49: {  	_ =	shalt  }
0x4a: {  	_ =	shalt  }
0x4b: {  	_ =	shalt  }
0x4c: {  	_ =	shalt  }
0x4d: {  	_ =	shalt  }
0x4e: {  	_ =	shalt  }
0x4f: {  	_ =	shalt  }
0x50: {  	_ =	shalt  }
0x51: {  	_ =	shalt  }
0x52: {  	_ =	shalt  }
0x53: {  	_ =	shalt  }
0x54: {  	_ =	shalt  }
0x55: {  	_ =	shalt  }
0x56: {  	_ =	shalt  }
0x57: {  	_ =	shalt  }
0x58: {  	_ =	shalt  }
0x59: {  	_ =	shalt  }
0x5a: {  	_ =	shalt  }
0x5b: {  	_ =	shalt  }
0x5c: {  	_ =	shalt  }
0x5d: {  	_ =	shalt  }
0x5e: {  	_ =	shalt  }
0x5f: {  	_ =	shalt  }
0x60: {  	_ =	shalt  }
0x61: {  	_ =	shalt  }
0x62: {  	_ =	shalt  }
0x63: {  	_ =	shalt  }
0x64: {  	_ =	shalt  }
0x65: {  	_ =	shalt  }
0x66: {  	_ =	shalt  }
0x67: {  	_ =	shalt  }
0x68: {  	_ =	shalt  }
0x69: {  	_ =	shalt  }
0x6a: {  	_ =	shalt  }
0x6b: {  	_ =	shalt  }
0x6c: {  	_ =	shalt  }
0x6d: {  	_ =	shalt  }
0x6e: {  	_ =	shalt  }
0x6f: {  	_ =	shalt  }
0x70: {  	_ =	shalt  }
0x71: {  	_ =	shalt  }
0x72: {  	_ =	shalt  }
0x73: {  	_ =	shalt  }
0x74: {  	_ =	shalt  }
0x75: {  	_ =	shalt  }
0x76: {  	_ =	shalt  }
0x77: {  	_ =	shalt  }
0x78: {  	_ =	shalt  }
0x79: {  	_ =	shalt  }
0x7a: {  	_ =	shalt  }
0x7b: {  	_ =	shalt  }
0x7c: {  	_ =	shalt  }
0x7d: {  	_ =	shalt  }
0x7e: {  	_ =	shalt  }
0x7f: {  	_ =	shalt  }
0x80: {  	_ =	shalt  }
0x81: {  	_ =	shalt  }
0x82: {  	_ =	shalt  }
0x83: {  	_ =	shalt  }
0x84: {  	_ =	shalt  }
0x85: {  	_ =	shalt  }
0x86: {  	_ =	shalt  }
0x87: {  	_ =	shalt  }
.Lfunc_end0:
.L_simem_size_0:
called_computation.2_lowered:
.L_overlay_start_0:
0x88: {  	s2 =	sld [smem:$0x3FD9]  }
0x89: {  	s3 =	sld [smem:$0x3FFE];
	_ =	sdelay $0x1  }
0x8a: {  	s1 =	srdreg.scid  }
0x8b: {  	s0 =	sand.u32 $0x1, s1  }
0x8c: {  	s14 =	sshll.u32 s0, $0xA;
	s2 =	sadd.s32 s3, s2  }
0x8d: {  	s2 =	sadd.s32 s2, s14  }
0x8e: {  	[smem:$0x3FC0] =	sst s2  }
0x8f: {  	_ = 	snop  }
0x90: {  	s2 =	sld [smem:$0x3FD0];
	_ =	sdelay $0x2  }
0x91: {  	s15 =	simm.s32 $0xA;
	s4 =	simm.s32 $0x10  }
0x92: {  	[smem:s4], [sflag:s15] =	dma.local [hbm:s2], $0x1  }
0x93: {  	_ =	swait.eq [sflag:s15], $0x1  }
0x94: {  	[sflag:s15] =	ssyncset.done $0x0  }
0x95: {  	s16 =	sld [smem:$0x10];
	[sflag:s15] =	ssyncadd.s32 $0xFFFFFFFF  }
0x96: {  	s17 =	sld [smem:$0x11];
	(tm) =	ssettm $0x1  }
0x97: {  	s18 =	sld [smem:$0x3FFB];
	_ =	sdelay $0x3  }
0x98: {  	_ =	strace s18  }
0x99: {  	s4 =	sld [smem:$0x3FFC];
	_ =	sdelay $0x3  }
0x9a: {  	_ =	strace s4  }
0x9b: {  	s4 =	sld [smem:$0x3FFD];
	_ =	sdelay $0x3  }
0x9c: {  	_ =	strace s4  }
0x9d: {  	_ =	strace $0x8FFFFFFF  }
0x9e: {  	s19 =	sld [smem:$0x3FDB];
	_ =	sdelay $0x1  }
0x9f: {  	s5 =	simm.s32 $_scs_section_size  }
0xa0: {  	s6 =	simm.s32 $_size__tile_overlayer_lowered;
	s7 =	simm.s32 $_tile_overlayer_lowered  }
0xa1: {  	s22 =	simm.s32 $0x1BFF;
	s21 =	sshll.u32 s7, $0x1;
	s4 =	sadd.s32 s5, s19  }
0xa2: {  	s8 =	simm.s32 $0x0;
	s20 =	sshll.u32 s6, $0x1;
	s6 =	sadd.s32 s21, s4  }
0xa3: {  	[timem:s8], [sflag:s22] =	dma.local [hbm:s6], s20  }
0xa4: {  	_ =	swait.ge [sflag:s22], s20  }
0xa5: {  	s5 =	ssub.s32 $0x0, s20;
	[sflag:s22] =	ssyncset.done $0x0  }
0xa6: {  	[sflag:s22] =	ssyncadd.s32 s5;
	_ =	sdelay $0x1  }
0xa7: {  	s23 =	simm.s32 $0x1B8B  }
0xa8: {  	_ =	swait.ge [sflag:s23], $0x1  }
0xa9: {  	[sflag:s23] =	ssyncset.done $0x0  }
0xaa: {  	s25 =	simm.s32 $0x1B8E;
	s24 =	sld [smem:$0x3FFE];
	[sflag:s23] =	ssyncadd.s32 $0xFFFFFFFF  }
0xab: {  	s26 =	simm.s32 $execute0_lowered;
	[smem:$0x3FD2] =	sst s25  }
0xac: {  	s6 =	sshll.u32 s26, $0x1;
	_ =	strace $0x8000004C;
	[dreg:$0x1] =	wrdreg $0xFFFFFFFF  }
0xad: {  	s28 =	simm.s32 $_size_execute0_lowered;
	s4 =	sadd.s32 s4, s6;
	[dreg:$0x0] =	wrdreg $0x0  }
0xae: {  	s6 =	sshll.u32 s28, $0x1;
	[dreg:$0x2] =	wrdreg s4  }
0xaf: {  	[dreg:$0x3] =	wrdreg s6  }
0xb0: {  	[dreg:$0x4] =	wrdreg $0xC0  }
0xb1: {  	_ =	task [dreg:s8], $0x5FFFF  }
0xb2: {  	[dreg:$0x1] =	wrdreg $0xFFFFFFFF  }
0xb3: {  	[dreg:$0x0] =	wrdreg $0x60  }
0xb4: {  	[dreg:$0x2] =	wrdreg s24  }
0xb5: {  	[dreg:$0x3] =	wrdreg s16  }
0xb6: {  	[dreg:$0x4] =	wrdreg s17  }
0xb7: {  	[dreg:$0x5] =	wrdreg $0x138200  }
0xb8: {  	[dreg:$0x6] =	wrdreg $0xE8200  }
0xb9: {  	[dreg:$0x7] =	wrdreg $0x9  }
0xba: {  	_ =	task.clear_ibuf [dreg:s8], $0x8FFFF;
	_ =	strace $0x9000004C  }
0xbb: {  	s29 =	simm.s32 $0x9;
	_ =	strace $0x8000004E  }
0xbc: {  	_ =	swait.ge [sflag:s29], $0x1  }
0xbd: {  	[sflag:s29] =	ssyncadd.s32 $0xFFFFFFFF  }
0xbe: {  	_ =	strace $0x9000004E  }
0xbf: {  	_ =	sfence  }
0xc0: {  	s30 =	sld [smem:$0x0];
	_ =	sdelay $0x2  }
0xc1: {  	s31 =	sshll.u32 s1, $0xD;
	s1 =	sshrl.u32 s1, $0x2  }
0xc2: {  	s3 =	sand.u32 $0x4000, s31;
	s1 =	sadd.s32 s1, s30  }
0xc3: {  	s0 =	sor.u32 s3, s0;
	s1 =	sshll.u32 s1, $0x11  }
0xc4: {  	s0 =	sor.u32 s1, s0  }
0xc5: {  	s0 =	sadd.s32 $0x8F2B, s0  }
0xc6: {  	[sflag:s0] =	ssyncadd.remote.s32 $0x1  }
0xc7: {  	_ =	sfence.sel $0xFFFF  }
0xc8: {  	[dreg:$0x0] =	wrdreg $0xFFFFFFFF;
	(pc) =	sbr.abs _section_cstart, $3  }
0xc9: {  	[dreg:$0x1] =	wrdreg $0xFFFFFFFF  }
0xca: {  	_ =	task.clear_ibuf [dreg:s8], $0x2FFFF;
	_ =	strace $0x9FFFFFFF  }
0xcb: {  	(tm) =	ssettm $0x7FFFFFFF  }
tec
execute0_lowered:
.L_overlay_start_1:
0x0: {  	(tag) =	ssettag $0x1  }
0x1: {  	s0 =	rddreg [dreg:$0x0]  }
0x2: {  	s2 =	rddreg [dreg:$0x1]  }
0x3: {  	s1 =	rddreg [dreg:$0x2]  }
0x4: {  	s3 =	rddreg [dreg:$0x3];
	s5 =	srdreg.scid  }
0x5: {  	s15 =	stileid.u32;
	s4 =	rddreg [dreg:$0x4]  }
0x6: {  	s6 =	simm.s32 $0x0;
	s18 =	simm.s32 $0x1;
	s19 =	simm.s32 $0x4  }
0x7: {  	s20 =	simm.s32 $0x10;
	s21 =	simm.s32 $0x3;
	s28 =	simm.s32 $0xB000  }
0x8: {  	s29 =	simm.s32 $0x2;
	s23 =	simm.s32 $0xD000;
	s9 =	smul.u32 $0x13880, s15  }
0x9: {  	s5 =	sand.u32 $0x1, s5;
	s8 =	smul.u32 $0xA00, s15;
	[smem:$0x7FF] =	sst s6  }
0xa: {  	s11 =	smul.u32 $0x5000, s15;
	s26 =	sshll.u32 s15, $0x6;
	s7 =	sshll.u32 s5, $0x5  }
0xb: {  	_ =	strace $0x8000004D;
	s25 =	ssub.s32 $0x2, s5;
	s31 =	sshll.u32 s5, $0x2  }
0xc: {  	p0 =	seq.s32 s5, $0x1;
	p1 =	sne.s32 s5, $0x0;
	s7 =	sor.u32 s7, s9  }
0xd: {  	s13 =	sadd.s32 s8, s0;
	s24 =	sshrl.u32 s11, $0x3;
	s14 =	sshrl.u32 s25, $0x1  }
0xe: {  	s8 =	smul.u32 $0x280, s15;
	s9 =	sshrl.u32 s9, $0x2;
	s11 =	sadd.s32 s11, s4  }
0xf: {  	s15 =	sadd.s32 $0xC808, s0;
	p2 =	por !p0, !p0;
	s7 =	sshrl.u32 s7, $0x3  }
0x10: {  	s12 =	sadd.s32 s24, s0;
	s16 =	ssub.s32 s25, s14;
	s9 =	sadd.s32 s9, s3  }
0x11: {  	s30 =	sadd.s32 $0x34800, s13;
	s13 =	sadd.s32 $0x2800, s13;
	s14 =	sadd.s32 s2, s31  }
0x12: {  	s22 =	sshrl.u32 s11, $0x3;
	s25 =	simm.s32 $0x80;
	s24 =	simm.s32 $0x0  }
0x13: {  	s10 =	sadd.s32 s7, s0;
	s7 =	sadd.s32 $0x70800, s0;
	s12 =	sadd.s32 $0x66800, s12  }
0x14: {  	[dreg:$0x8] =	wrdreg s30;
	s16 =	smax.u32 s16, $0x1;
	s17 =	sshrl.u32 s9, $0x3  }
0x15: {  	s0 =	simm.s32 $0xC000;
	s10 =	sadd.s32 $0x3E800, s10;
	[dreg:$0x7] =	wrdreg s12  }
0x16: {  	[dreg:$0x6] =	wrdreg s10;
	s10 =	sor.u32 $0x1C03, s26;
	s26 =	simm.s32 $0xA000  }
.LBB2_1:
0x17: {  	s2 =	rddreg [dreg:$0x6]  }
0x18: {  	[spmem:s17@s19], [sflag:s10] =	dma.strided [hbm:s2@s20], $0x9C4, s18, $0x4   }
0x19: {  	_ =	swait.ge [sflag:s21], $0x9C4  }
0x1a: {  	[sflag:s21] =	ssyncset.done $0x0  }
0x1b: {  	s12 =	rddreg [dreg:$0x7];
	[sflag:s21] =	ssyncadd.s32 $0xFFFFF63C  }
0x1c: {  	[spmem:s22], [sflag:s10] =	dma.local [hbm:s12], $0xA00  }
0x1d: {  	_ =	swait.ge [sflag:s21], $0xA00  }
0x1e: {  	[sflag:s21] =	ssyncset.done $0x0  }
0x1f: {  	s30 =	rddreg [dreg:$0x8];
	[sflag:s21] =	ssyncadd.s32 $0xFFFFF600  }
0x20: {  	[tilespmem:s6], [sflag:$0x3] =	stream.linear.gather [hbm4b:s30+s6], $0x5000, $0x38;
	[tilespmem:$0x18820] =	vst v63  }
0x21: {  	_ =	swait.ge [sflag:s21], $0x5000  }
0x22: {  	[sflag:s21] =	ssyncset.done $0x0  }
0x23: {  	s31 =	simm.s32 $0x5000;
	[sflag:s21] =	ssyncadd.s32 $0xFFFFB000  }
0x24: {  	[tilespmem:s31], [sflag:$0x3] =	stream.linear.gather [hbm4b:s13+s6], $0x5000, $0x38;
	[tilespmem:$0x18820] =	vst v63  }
0x25: {  	_ =	swait.ge [sflag:s21], $0x5000  }
0x26: {  	[sflag:s21] =	ssyncset.done $0x0  }
0x27: {  	s9 =	simm.s32 $0xE800;
	[sflag:s21] =	ssyncadd.s32 $0xFFFFB000  }
0x28: {  	[tilespmem:s9], [sflag:$0x3] =	stream.linear.gather [hbm4b:s14+s6], $0x20, $0x38;
	[tilespmem:$0x18820] =	vst v63  }
0x29: {  	_ =	swait.ge [sflag:s21], $0x20  }
0x2a: {  	[sflag:s21] =	ssyncset.done $0x0  }
0x2b: {  	[sflag:s21] =	ssyncadd.s32 $0xFFFFFFE0  }
0x2c: {  	[bflag:$0x0] =	sbarrier.arrive $0xFFFF  }
0x2d: {  	[tilespmem:s26], [sflag:$0x1] =	stream.indirect.gather [spmem:s3], $0x20, s6, s25, $0xb8;
	[tilespmem:$0x18820] =	vst v63  }
0x2e: {  	_ =	swait.ge [sflag:s18], $0x1000  }
0x2f: {  	[sflag:s18] =	ssyncset.done $0x0  }
0x30: {  	s11 =	simm.s32 $0x80;
	[sflag:s18] =	ssyncadd.s32 $0xFFFFF000  }
0x31: {  	[tilespmem:s28], [sflag:$0x2] =	stream.indirect.gather [spmem:s3], $0x20, s11, s25, $0xb8;
	[tilespmem:$0x18820] =	vst v63  }
0x32: {  	s12 =	simm.s32 $0x5000  }
0x33: {  	[spmem:s4] =	stream.indirect.scatter.add.f32 [tilespmem:s26], [sflag:$0x3], $0x20, s12, s25, $0xb8;
	[tilespmem:$0x18820] =	vst v63  }
0x34: {  	_ =	swait.ge [sflag:s21], $0x1000  }
0x35: {  	[sflag:s21] =	ssyncset.done $0x0  }
0x36: {  	[sflag:s21] =	ssyncadd.s32 $0xFFFFF000  }
0x37: {  	_ =	swait.ge [sflag:s29], $0x1000  }
0x38: {  	[sflag:s29] =	ssyncset.done $0x0  }
0x39: {  	s30 =	simm.s32 $0x100;
	[sflag:s29] =	ssyncadd.s32 $0xFFFFF000  }
0x3a: {  	[tilespmem:s26], [sflag:$0x1] =	stream.indirect.gather [spmem:s3], $0x20, s30, s25, $0xb8;
	[tilespmem:$0x18820] =	vst v63  }
0x3b: {  	s31 =	simm.s32 $0x5080  }
0x3c: {  	[spmem:s4] =	stream.indirect.scatter.add.f32 [tilespmem:s28], [sflag:$0x3], $0x20, s31, s25, $0xb8;
	[tilespmem:$0x18820] =	vst v63  }
0x3d: {  	_ =	swait.ge [sflag:s21], $0x1000  }
0x3e: {  	s2 =	simm.s32 $0x400;
	[sflag:s21] =	ssyncset.done $0x0  }
.LBB2_2:
0x3f: {  	p3 =	sne.s32 s2, $0x13800  }
0x40: {  	[sflag:s21] =	ssyncadd.s32 $0xFFFFF000;
	s9 =	smov.u32 s2;
	s2 =	sadd.s32 $0x400, s2  }
0x41: {  	_ = 	snop  }
0x42: {  	_ =	swait.ge [sflag:s18], $0x1000  }
0x43: {  	s9 =	sshra.s32 s9, $0x2;
	[sflag:s18] =	ssyncset.done $0x0  }
0x44: {  	s11 =	sadd.s32 $0x80, s9;
	[sflag:s18] =	ssyncadd.s32 $0xFFFFF000  }
0x45: {  	[tilespmem:s28], [sflag:$0x2] =	stream.indirect.gather [spmem:s3], $0x20, s11, s25, $0xb8;
	[tilespmem:$0x18820] =	vst v63  }
0x46: {  	s11 =	sadd.s32 $0x5000, s9  }
0x47: {  	[spmem:s4] =	stream.indirect.scatter.add.f32 [tilespmem:s26], [sflag:$0x3], $0x20, s11, s25, $0xb8;
	[tilespmem:$0x18820] =	vst v63  }
0x48: {  	_ =	swait.ge [sflag:s21], $0x1000  }
0x49: {  	[sflag:s21] =	ssyncset.done $0x0  }
0x4a: {  	[sflag:s21] =	ssyncadd.s32 $0xFFFFF000  }
0x4b: {  	_ =	swait.ge [sflag:s29], $0x1000  }
0x4c: {  	[sflag:s29] =	ssyncset.done $0x0  }
0x4d: {  	s11 =	sadd.s32 $0x100, s9;
	[sflag:s29] =	ssyncadd.s32 $0xFFFFF000  }
0x4e: {  	[tilespmem:s26], [sflag:$0x1] =	stream.indirect.gather [spmem:s3], $0x20, s11, s25, $0xb8;
	[tilespmem:$0x18820] =	vst v63  }
.Ltmp0:
0x4f: {  	_ = 	snop;
	(pc) =	sbr.rel @p3 .LBB2_2-.Ltmp0, $4  }
0x50: {  	s9 =	sadd.s32 $0x5080, s9  }
0x51: {  	[spmem:s4] =	stream.indirect.scatter.add.f32 [tilespmem:s28], [sflag:$0x3], $0x20, s9, s25, $0xb8;
	[tilespmem:$0x18820] =	vst v63  }
0x52: {  	_ =	swait.ge [sflag:s21], $0x1000  }
0x53: {  	[sflag:s21] =	ssyncset.done $0x0  }
0x54: {  	[sflag:s21] =	ssyncadd.s32 $0xFFFFF000  }
0x55: {  	_ =	swait.ge [sflag:s18], $0x1000  }
0x56: {  	[sflag:s18] =	ssyncset.done $0x0  }
0x57: {  	s2 =	simm.s32 $0x4F80;
	[sflag:s18] =	ssyncadd.s32 $0xFFFFF000  }
0x58: {  	[tilespmem:s28], [sflag:$0x2] =	stream.indirect.gather [spmem:s3], $0x20, s2, s25, $0xb8;
	[tilespmem:$0x18820] =	vst v63  }
0x59: {  	s12 =	simm.s32 $0x9F00  }
0x5a: {  	[spmem:s4] =	stream.indirect.scatter.add.f32 [tilespmem:s26], [sflag:$0x3], $0x20, s12, s25, $0xb8;
	[tilespmem:$0x18820] =	vst v63  }
0x5b: {  	_ =	swait.ge [sflag:s21], $0x1000  }
0x5c: {  	[sflag:s21] =	ssyncset.done $0x0  }
0x5d: {  	[sflag:s21] =	ssyncadd.s32 $0xFFFFF000  }
0x5e: {  	_ =	swait.ge [sflag:s29], $0x1000  }
0x5f: {  	[sflag:s29] =	ssyncset.done $0x0  }
0x60: {  	s31 =	simm.s32 $0x9F80;
	[sflag:s29] =	ssyncadd.s32 $0xFFFFF000  }
0x61: {  	[spmem:s4] =	stream.indirect.scatter.add.f32 [tilespmem:s28], [sflag:$0x3], $0x20, s31, s25, $0xb8;
	[tilespmem:$0x18820] =	vst v63  }
0x62: {  	_ =	swait.ge [sflag:s21], $0x1000  }
0x63: {  	[sflag:s21] =	ssyncset.done $0x0  }
0x64: {  	[sflag:s21] =	ssyncadd.s32 $0xFFFFF000  }
0x65: {  	[bflag:$0x0] =	sbarrier.arrive $0xFFFF  }
0x66: {  	v0 =	vld [tilespmem:$0xE800]  }
0x67: {  	s30 =	simm.s32 $0x0;
	v1 =	vld [tilespmem:$0xE810]  }
.LBB2_4:
0x68: {  	s2 =	sshll.u32 s30, $0x7  }
0x69: {  	s31 =	sadd.s32 s8, s2  }
0x6a: {  	s2 =	sshll.u32 s31, $0x5  }
0x6b: {  	s9 =	sadd.s32 s2, s4  }
0x6c: {  	[tilespmem:s0], [sflag:$0x4] =	stream.linear.gather [spmem:s9], $0x1000, $0x38;
	[tilespmem:$0x18820] =	vst v63  }
0x6d: {  	_ =	swait.ge [sflag:s19], $0x1000  }
0x6e: {  	[sflag:s19] =	ssyncset.done $0x0  }
0x6f: {  	s2 =	sadd.s32 s2, s3;
	[sflag:s19] =	ssyncadd.s32 $0xFFFFF000  }
0x70: {  	[tilespmem:s23], [sflag:$0x4] =	stream.linear.gather [spmem:s2], $0x1000, $0x38;
	[tilespmem:$0x18820] =	vst v63  }
0x71: {  	_ =	swait.ge [sflag:s19], $0x1000  }
0x72: {  	s11 =	sshll.u32 s31, $0x4;
	[sflag:s19] =	ssyncset.done $0x0  }
0x73: {  	s12 =	sadd.s32 s11, s15;
	s2 =	simm.s32 $0xE000;
	[sflag:s19] =	ssyncadd.s32 $0xFFFFF000  }
0x74: {  	[tilespmem:s2], [sflag:$0x4] =	stream.strided.gather [hbm4b:s12+s20], $0x800, s25, s20, $0x38;
	[tilespmem:$0x18820] =	vst v63  }
0x75: {  	_ =	swait.ge [sflag:s19], $0x800  }
0x76: {  	[sflag:s19] =	ssyncset.done $0x0  }
0x77: {  	s12 =	simm.s32 $0x0;
	[sflag:s19] =	ssyncadd.s32 $0xFFFFF800  }
0x78: {  	v2 =	vld [tilespmem:s12+$0xD000]  }
0x79: {  	v3 =	vld [tilespmem:s12+$0xD010]  }
0x7a: {  	v4 =	vld [tilespmem:s12+$0xC010]  }
0x7b: {  	v5 =	vld [tilespmem:s12+$0xC000]  }
0x7c: {  	v6 =	vld [tilespmem:s2+$0x0];
	_ =	sdelay $0x2  }
0x7d: {  	v3 =	vadd.f32 v3, v4  }
0x7e: {  	v2 =	vadd.f32 v2, v5  }
0x7f: {  	v3 =	vmul.f32 v3, v6  }
0x80: {  	v4 =	vmul.f32 v2, v6  }
0x81: {  	s9 =	simm.s32 $0x20;
	v5 =	vadd.f32 v3, v1  }
0x82: {  	v2 =	vld [tilespmem:s9+$0xD000];
	v6 =	vadd.f32 v4, v0  }
0x83: {  	v3 =	vld [tilespmem:s9+$0xD010];
	[tilespmem:s12+$0xC010] =	vst v5  }
0x84: {  	s11 =	simm.s32 $0x100;
	v4 =	vld [tilespmem:s9+$0xC010];
	[tilespmem:s12+$0xC000] =	vst v6  }
.LBB2_5:
0x85: {  	p3 =	sne.s32 s11, $0x3F80;
	v5 =	vld [tilespmem:s9+$0xC000];
	s2 =	sadd.s32 $0x10, s2  }
0x86: {  	v6 =	vld [tilespmem:s2+$0x0];
	_ =	sdelay $0x2  }
0x87: {  	v3 =	vadd.f32 v3, v4  }
0x88: {  	v2 =	vadd.f32 v2, v5  }
0x89: {  	v3 =	vmul.f32 v3, v6  }
.Ltmp1:
0x8a: {  	v4 =	vmul.f32 v2, v6;
	(pc) =	sbr.rel @p3 .LBB2_5-.Ltmp1, $4  }
0x8b: {  	s12 =	sshra.s32 s11, $0x2;
	v5 =	vadd.f32 v3, v1  }
0x8c: {  	v2 =	vld [tilespmem:s12+$0xD000];
	v6 =	vadd.f32 v4, v0  }
0x8d: {  	v3 =	vld [tilespmem:s12+$0xD010];
	[tilespmem:s9+$0xC010] =	vst v5  }
0x8e: {  	s11 =	sadd.s32 $0x80, s11;
	v4 =	vld [tilespmem:s12+$0xC010];
	[tilespmem:s9+$0xC000] =	vst v6;
	s9 =	smov.u32 s12  }
0x8f: {  	v5 =	vld [tilespmem:s9+$0xC000];
	s2 =	sadd.s32 $0x10, s2  }
0x90: {  	v6 =	vld [tilespmem:s2+$0x0];
	_ =	sdelay $0x2  }
0x91: {  	v3 =	vadd.f32 v3, v4  }
0x92: {  	v2 =	vadd.f32 v2, v5  }
0x93: {  	v3 =	vmul.f32 v3, v6  }
0x94: {  	v2 =	vmul.f32 v2, v6  }
0x95: {  	p3 =	sgt.u32 @!p1 s31, $0x2690;
	v3 =	vadd.f32 v3, v1  }
0x96: {  	p6 =	sgt.u32 s31, $0x2690;
	p4 =	por p3, p1;
	v2 =	vadd.f32 v2, v0  }
0x97: {  	p3 =	por p6, p2;
	s2 =	sshll.u32 @!p4 s31, $0x2;
	[tilespmem:s9+$0xC010] =	vst v3  }
0x98: {  	s11 =	simm.s32 @!p4 $0xC000;
	s2 =	sadd.s32 @!p4 s1, s2;
	[tilespmem:s9+$0xC000] =	vst v2;
	s9 =	simm.s32 @!p4 $0x0  }
0x99: {  	[hbm4b:s2+s9] =	stream.linear.scatter @!p4 [tilespmem:s11], [sflag:$0x4], $0x1000, $0x38;
	[tilespmem:$0x18820] =	vst v63  }
0x9a: {  	s2 =	sadd.s32 @p3 $0xFFFFD96F, s31  }
0x9b: {  	p5 =	sgt.u32 @p3 s2, $0x7E  }
0x9c: {  	p6 =	por p5, !p3  }
0x9d: {  	s2 =	simm.s32 @!p4 $0x4;
	p6 =	sne.s32 @!p6 s5, $0x0  }
0x9e: {  	_ =	swait.ge @!p4 [sflag:s2], $0x1000;
	p6 =	por @p3 p6, p5  }
0x9f: {  	[sflag:s2] =	ssyncset.done @!p4 $0x0;
	p6 =	por p6, !p3  }
0xa0: {  	[sflag:s2] =	ssyncadd.s32 @!p4 $0xFFFFF000;
	s2 =	sshll.u32 @!p6 s31, $0x2  }
0xa1: {  	s9 =	simm.s32 @!p6 $0x0;
	s11 =	simm.s32 @!p6 $0xC000;
	s2 =	sadd.s32 @!p6 s1, s2  }
0xa2: {  	[hbm4b:s2+s9] =	stream.linear.scatter @!p6 [tilespmem:s11], [sflag:$0x4], $0x200, $0x38;
	[tilespmem:$0x18820] =	vst v63  }
0xa3: {  	s2 =	simm.s32 @!p6 $0x4  }
0xa4: {  	p4 =	por @p3 !p0, p5;
	_ =	swait.ge @!p6 [sflag:s2], $0x200  }
0xa5: {  	p4 =	por p4, !p3;
	[sflag:s2] =	ssyncset.done @!p6 $0x0  }
0xa6: {  	[sflag:s2] =	ssyncadd.s32 @!p6 $0xFFFFFE00;
	s2 =	sshll.u32 @!p4 s31, $0x2  }
0xa7: {  	s9 =	simm.s32 @!p4 $0x0;
	s11 =	simm.s32 @!p4 $0xC000;
	s2 =	sadd.s32 @!p4 s7, s2  }
0xa8: {  	[hbm4b:s2+s9] =	stream.linear.scatter @!p4 [tilespmem:s11], [sflag:$0x3], $0x200, $0x38;
	[tilespmem:$0x18820] =	vst v63  }
0xa9: {  	s2 =	simm.s32 @!p4 $0x3  }
0xaa: {  	_ =	swait.ge @!p4 [sflag:s2], $0x200  }
0xab: {  	s30 =	sadd.s32 $0x1, s30;
	[sflag:s2] =	ssyncset.done @!p4 $0x0  }
0xac: {  	s9 =	simm.s32 @!p3 $0x0;
	[sflag:s2] =	ssyncadd.s32 @!p4 $0xFFFFFE00;
	s2 =	sshll.u32 @!p3 s31, $0x2  }
0xad: {  	s11 =	simm.s32 @!p3 $0xC000;
	p4 =	sne.s32 s30, $0x5;
	s2 =	sadd.s32 @!p3 s7, s2  }
0xae: {  	[hbm4b:s2+s9] =	stream.linear.scatter @!p3 [tilespmem:s11], [sflag:$0x4], $0x1000, $0x38;
	[tilespmem:$0x18820] =	vst v63  }
.Ltmp2:
0xaf: {  	_ = 	snop;
	(pc) =	sbr.rel @p4 .LBB2_4-.Ltmp2, $4  }
0xb0: {  	s2 =	simm.s32 @!p3 $0x4  }
0xb1: {  	_ =	swait.ge @!p3 [sflag:s2], $0x1000  }
0xb2: {  	[sflag:s2] =	ssyncset.done @!p3 $0x0  }
0xb3: {  	[sflag:s2] =	ssyncadd.s32 @!p3 $0xFFFFF000  }
0xb4: {  	s24 =	sadd.s32 $0x1, s24  }
0xb5: {  	p3 =	sne.s32 s24, s16  }
.Ltmp3:
0xb6: {  	_ = 	snop;
	(pc) =	sbr.rel @p3 .LBB2_1-.Ltmp3, $1  }
0xb7: {  	_ =	sdelay $0x3  }
0xb8: {  	_ =	sfence.sel $0x180000  }
0xb9: {  	[bflag:$0x0] =	sbarrier.arrive $0xFFFF  }
0xba: {  	_ =	strace $0x9000004D  }
0xbb: {  	s0 =	stileid.u32;
	[bflag:$0x2] =	sbarrier.arrive $0xFFFF  }
0xbc: {  	p0 =	sne.s32 s0, $0x0;
	s0 =	rddreg [dreg:$0x5]  }
0xbd: {  	s0 =	sadd.s32 @!p0 $0x100000, s0  }
0xbe: {  	[sflag:s0] =	ssyncadd.tile.s32 @!p0 $0x1;
	_ =	shalt  }
.Lfunc_end2:
_tile_overlayer_lowered:
.L_overlay_start_2:
0xbf: {  	(tag) =	ssettag $0x2  }
0xc0: {  	s0 =	rddreg [dreg:$0x0];
	s2 =	stileid.u32  }
0xc1: {  	s1 =	rddreg [dreg:$0x1];
	p0 =	sne.s32 s2, $0x0  }
0xc2: {  	s3 =	rddreg [dreg:$0x2];
	[bflag:$0x3] =	sbarrier.arrive $0xFFFF;
	s2 =	simm.s32 @!p0 $0x1C03  }
0xc3: {  	[timem:s3], [sflag:s2] =	dma.local @!p0 [hbm:s0], s1  }
0xc4: {  	s0 =	simm.s32 @!p0 $0x3  }
0xc5: {  	_ =	swait.ge @!p0 [sflag:s0], s1  }
0xc6: {  	s1 =	ssub.s32 @!p0 $0x0, s1;
	[sflag:s0] =	ssyncset.done @!p0 $0x0  }
0xc7: {  	[sflag:s0] =	ssyncadd.s32 @!p0 s1  }
0xc8: {  	[bflag:$0x3] =	sbarrier.arrive $0xFFFF  }
0xc9: {  	_ =	shalt  }

// kernel: kernel.7.cloned.1.call-start
scs
__scs_entry_jumppad:
0x0: {  	(pc) =	sbr.rel $0x88, $3  }
0x1: {  	(tag) =	ssettag $0x0;
	lr =	simm.s32 $0x1  }
0x2: {  	[smem:$0x3F99] =	sst lr;
	_ =	strace $0xD0000000  }
0x3: {  	_ = 	snop  }
0x4: {  	_ = 	snop  }
0x5: {  	_ = 	snop  }
0x6: {  	_ = 	snop  }
0x7: {  	_ = 	snop  }
__scs_overlays_trampoline_lowered:
0x8: {  	[smem:$0x3FA8] =	sst s0  }
0x9: {  	[smem:$0x3FA9] =	sst s1  }
0xa: {  	[smem:$0x3FAA] =	sst s2  }
0xb: {  	[smem:$0x3FAB] =	sst s3  }
0xc: {  	[smem:$0x3FAC] =	sst s4  }
0xd: {  	[smem:$0x3FAD] =	sst s5  }
0xe: {  	[smem:$0x3FAE] =	sst s6  }
0xf: {  	[smem:$0x3FAF] =	sst s7  }
0x10: {  	[smem:$0x3FB0] =	sst s8  }
0x11: {  	[smem:$0x3FB1] =	sst s9;
	s0 =	simm.s32 @!p0 $0x0  }
0x12: {  	s1 =	sld [smem:$0x3F97];
	s0 =	simm.s32 @p0 $0x1  }
0x13: {  	[smem:$0x3FB2] =	sst s0;
	s0 =	simm.s32 @!p1 $0x0  }
0x14: {  	s2 =	sld [smem:$0x3F96];
	s0 =	simm.s32 @p1 $0x1  }
0x15: {  	[smem:$0x3FB3] =	sst s0;
	s0 =	simm.s32 @!p2 $0x0  }
0x16: {  	s3 =	sld [smem:$0x3FDB];
	s0 =	simm.s32 @p2 $0x1  }
0x17: {  	s4 =	simm.s32 $0x1BF5;
	[smem:$0x3FB5] =	sst s0  }
0x18: {  	s0 =	sld [smem:$0x3F98];
	_ =	swait.ge [sflag:s4], $0x0  }
0x19: {  	s7 =	sld [smem:$0x3F99]  }
0x1a: {  	s8 =	sadd.s32 $0xFFFFE003, lr  }
0x1b: {  	s9 =	sadd.s32 $0xFFFFFEF7, lr;
	s5 =	simm.s32 $0xFFFFFFFF;
	p2 =	slt.u32 s8, $0xFFFFF086  }
0x1c: {  	p1 =	slt.u32 s9, $0xF7A;
	s5 =	simm.s32 @!p2 $0x0  }
0x1d: {  	s5 =	simm.s32 @p1 $0x1;
	p0 =	seq.s32 s7, s2  }
0x1e: {  	s7 =	smul.u32 @!p0 $0xF7A, s2;
	p2 =	seq.s32 @!p0 s5, $0x0  }
0x1f: {  	s9 =	smul.u32 $0xF7A, s1;
	s8 =	simm.s32 @!p0 $0x1BF5;
	p2 =	por !p2, p0  }
0x20: {  	[sflag:s8] =	ssyncset.s32 @!p0 $0xFFFFF086;
	s6 =	sadd.s32 @!p0 s3, s7;
	s7 =	simm.s32 @!p0 $0x108  }
0x21: {  	s3 =	sadd.s32 s3, s9;
	s6 =	sadd.s32 @!p0 $0x88, s6;
	s7 =	simm.s32 @p2 $0x1082  }
0x22: {  	[simem:s7], [sflag:s8] =	dma.local @!p0 [hbm:s6], $0xF7A  }
0x23: {  	s9 =	sor.u32 $0xD0000000, s2;
	s6 =	simm.s32 $0x108;
	_ =	swait.ge @!p0 [sflag:s8], $0x0  }
0x24: {  	s3 =	sadd.s32 $0x88, s3;
	s6 =	simm.s32 @!p1 $0x1082;
	[sflag:s4] =	ssyncset.s32 $0xFFFFF086  }
0x25: {  	[simem:s6], [sflag:s4] =	dma.local [hbm:s3], $0xF7A  }
0x26: {  	[smem:$0x3F99] =	sst s1;
	(tag) =	ssettag s2;
	_ =	strace s9  }
0x27: {  	s1 =	sld [smem:$0x3FA9]  }
0x28: {  	s2 =	sld [smem:$0x3FAA]  }
0x29: {  	s4 =	sld [smem:$0x3FAC]  }
0x2a: {  	p0 =	seq.s32 s5, $0x0;
	s5 =	sld [smem:$0x3FAD]  }
0x2b: {  	s6 =	sld [smem:$0x3FAE]  }
0x2c: {  	s7 =	sld [smem:$0x3FAF]  }
0x2d: {  	s3 =	simm.s32 $0x108;
	s8 =	sld [smem:$0x3FB0]  }
0x2e: {  	s3 =	simm.s32 @!p0 $0x1082;
	s9 =	sld [smem:$0x3FB1]  }
0x2f: {  	lr =	sadd.s32 s0, s3;
	s0 =	sld [smem:$0x3FA8]  }
0x30: {  	s3 =	sld [smem:$0x3FAB]  }
0x31: {  	[smem:$0x3FB4] =	sst s10  }
0x32: {  	s10 =	sld [smem:$0x3FB2];
	_ =	sdelay $0x3  }
0x33: {  	p0 =	seq.s32 s10, $0x1;
	s10 =	sld [smem:$0x3FB4];
	_ =	sdelay $0x3  }
0x34: {  	[smem:$0x3FB4] =	sst s10  }
0x35: {  	s10 =	sld [smem:$0x3FB3];
	_ =	sdelay $0x3  }
0x36: {  	p1 =	seq.s32 s10, $0x1;
	s10 =	sld [smem:$0x3FB4];
	_ =	sdelay $0x3  }
0x37: {  	[smem:$0x3FB4] =	sst s10  }
0x38: {  	s10 =	sld [smem:$0x3FB5]  }
0x39: {  	_ = 	snop;
	(pc) =	sbr.ind lr, $3  }
0x3a: {  	_ = 	snop  }
0x3b: {  	_ = 	snop  }
0x3c: {  	p2 =	seq.s32 s10, $0x1;
	s10 =	sld [smem:$0x3FB4]  }
0x3d: {  	_ =	shalt  }
0x3e: {  	_ =	shalt  }
0x3f: {  	_ =	shalt  }
0x40: {  	_ =	shalt  }
0x41: {  	_ =	shalt  }
0x42: {  	_ =	shalt  }
0x43: {  	_ =	shalt  }
0x44: {  	_ =	shalt  }
0x45: {  	_ =	shalt  }
0x46: {  	_ =	shalt  }
0x47: {  	_ =	shalt  }
0x48: {  	_ =	shalt  }
0x49: {  	_ =	shalt  }
0x4a: {  	_ =	shalt  }
0x4b: {  	_ =	shalt  }
0x4c: {  	_ =	shalt  }
0x4d: {  	_ =	shalt  }
0x4e: {  	_ =	shalt  }
0x4f: {  	_ =	shalt  }
0x50: {  	_ =	shalt  }
0x51: {  	_ =	shalt  }
0x52: {  	_ =	shalt  }
0x53: {  	_ =	shalt  }
0x54: {  	_ =	shalt  }
0x55: {  	_ =	shalt  }
0x56: {  	_ =	shalt  }
0x57: {  	_ =	shalt  }
0x58: {  	_ =	shalt  }
0x59: {  	_ =	shalt  }
0x5a: {  	_ =	shalt  }
0x5b: {  	_ =	shalt  }
0x5c: {  	_ =	shalt  }
0x5d: {  	_ =	shalt  }
0x5e: {  	_ =	shalt  }
0x5f: {  	_ =	shalt  }
0x60: {  	_ =	shalt  }
0x61: {  	_ =	shalt  }
0x62: {  	_ =	shalt  }
0x63: {  	_ =	shalt  }
0x64: {  	_ =	shalt  }
0x65: {  	_ =	shalt  }
0x66: {  	_ =	shalt  }
0x67: {  	_ =	shalt  }
0x68: {  	_ =	shalt  }
0x69: {  	_ =	shalt  }
0x6a: {  	_ =	shalt  }
0x6b: {  	_ =	shalt  }
0x6c: {  	_ =	shalt  }
0x6d: {  	_ =	shalt  }
0x6e: {  	_ =	shalt  }
0x6f: {  	_ =	shalt  }
0x70: {  	_ =	shalt  }
0x71: {  	_ =	shalt  }
0x72: {  	_ =	shalt  }
0x73: {  	_ =	shalt  }
0x74: {  	_ =	shalt  }
0x75: {  	_ =	shalt  }
0x76: {  	_ =	shalt  }
0x77: {  	_ =	shalt  }
0x78: {  	_ =	shalt  }
0x79: {  	_ =	shalt  }
0x7a: {  	_ =	shalt  }
0x7b: {  	_ =	shalt  }
0x7c: {  	_ =	shalt  }
0x7d: {  	_ =	shalt  }
0x7e: {  	_ =	shalt  }
0x7f: {  	_ =	shalt  }
0x80: {  	_ =	shalt  }
0x81: {  	_ =	shalt  }
0x82: {  	_ =	shalt  }
0x83: {  	_ =	shalt  }
0x84: {  	_ =	shalt  }
0x85: {  	_ =	shalt  }
0x86: {  	_ =	shalt  }
0x87: {  	_ =	shalt  }
.Lfunc_end0:
.L_simem_size_0:
called_computation_lowered:
.L_overlay_start_0:
0x88: {  	s2 =	sld [smem:$0x3FD9]  }
0x89: {  	s3 =	sld [smem:$0x3FFE];
	_ =	sdelay $0x1  }
0x8a: {  	s1 =	srdreg.scid  }
0x8b: {  	s0 =	sand.u32 $0x1, s1  }
0x8c: {  	s14 =	sshll.u32 s0, $0xA;
	s2 =	sadd.s32 s3, s2  }
0x8d: {  	s2 =	sadd.s32 s2, s14  }
0x8e: {  	[smem:$0x3FC0] =	sst s2  }
0x8f: {  	_ = 	snop  }
0x90: {  	s2 =	sld [smem:$0x3FD0];
	_ =	sdelay $0x2  }
0x91: {  	s15 =	simm.s32 $0xA;
	s4 =	simm.s32 $0x10  }
0x92: {  	[smem:s4], [sflag:s15] =	dma.local [hbm:s2], $0x1  }
0x93: {  	_ =	swait.eq [sflag:s15], $0x1  }
0x94: {  	[sflag:s15] =	ssyncset.done $0x0  }
0x95: {  	s16 =	sld [smem:$0x10];
	[sflag:s15] =	ssyncadd.s32 $0xFFFFFFFF  }
0x96: {  	s17 =	sld [smem:$0x11];
	(tm) =	ssettm $0x1  }
0x97: {  	s18 =	sld [smem:$0x3FFB];
	_ =	sdelay $0x3  }
0x98: {  	_ =	strace s18  }
0x99: {  	s4 =	sld [smem:$0x3FFC];
	_ =	sdelay $0x3  }
0x9a: {  	_ =	strace s4  }
0x9b: {  	s4 =	sld [smem:$0x3FFD];
	_ =	sdelay $0x3  }
0x9c: {  	_ =	strace s4  }
0x9d: {  	_ =	strace $0x8FFFFFFF  }
0x9e: {  	s19 =	sld [smem:$0x3FDB];
	_ =	sdelay $0x1  }
0x9f: {  	s5 =	simm.s32 $_scs_section_size  }
0xa0: {  	s6 =	simm.s32 $_size__tile_overlayer_lowered;
	s7 =	simm.s32 $_tile_overlayer_lowered  }
0xa1: {  	s22 =	simm.s32 $0x1BFF;
	s21 =	sshll.u32 s7, $0x1;
	s4 =	sadd.s32 s5, s19  }
0xa2: {  	s8 =	simm.s32 $0x0;
	s20 =	sshll.u32 s6, $0x1;
	s6 =	sadd.s32 s21, s4  }
0xa3: {  	[timem:s8], [sflag:s22] =	dma.local [hbm:s6], s20  }
0xa4: {  	_ =	swait.ge [sflag:s22], s20  }
0xa5: {  	s5 =	ssub.s32 $0x0, s20;
	[sflag:s22] =	ssyncset.done $0x0  }
0xa6: {  	[sflag:s22] =	ssyncadd.s32 s5;
	_ =	sdelay $0x1  }
0xa7: {  	s23 =	simm.s32 $0x1B8B  }
0xa8: {  	_ =	swait.ge [sflag:s23], $0x1  }
0xa9: {  	[sflag:s23] =	ssyncset.done $0x0  }
0xaa: {  	s25 =	simm.s32 $0x1B8E;
	s24 =	sld [smem:$0x3FFE];
	[sflag:s23] =	ssyncadd.s32 $0xFFFFFFFF  }
0xab: {  	s26 =	simm.s32 $execute0_lowered;
	[smem:$0x3FD2] =	sst s25  }
0xac: {  	s6 =	sshll.u32 s26, $0x1;
	_ =	strace $0x80000046;
	[dreg:$0x1] =	wrdreg $0xFFFFFFFF  }
0xad: {  	s28 =	simm.s32 $_size_execute0_lowered;
	s4 =	sadd.s32 s4, s6;
	[dreg:$0x0] =	wrdreg $0x0  }
0xae: {  	s6 =	sshll.u32 s28, $0x1;
	[dreg:$0x2] =	wrdreg s4  }
0xaf: {  	[dreg:$0x3] =	wrdreg s6  }
0xb0: {  	[dreg:$0x4] =	wrdreg $0xC0  }
0xb1: {  	_ =	task [dreg:s8], $0x5FFFF  }
0xb2: {  	[dreg:$0x1] =	wrdreg $0xFFFFFFFF  }
0xb3: {  	[dreg:$0x0] =	wrdreg $0x60  }
0xb4: {  	[dreg:$0x2] =	wrdreg s24  }
0xb5: {  	[dreg:$0x3] =	wrdreg s16  }
0xb6: {  	[dreg:$0x4] =	wrdreg s17  }
0xb7: {  	[dreg:$0x5] =	wrdreg $0x30000  }
0xb8: {  	[dreg:$0x6] =	wrdreg $0x9  }
0xb9: {  	_ =	task.clear_ibuf [dreg:s8], $0x7FFFF;
	_ =	strace $0x90000046  }
0xba: {  	s29 =	simm.s32 $0x9;
	_ =	strace $0x80000048  }
0xbb: {  	_ =	swait.ge [sflag:s29], $0x1  }
0xbc: {  	[sflag:s29] =	ssyncadd.s32 $0xFFFFFFFF  }
0xbd: {  	_ =	strace $0x90000048  }
0xbe: {  	_ =	sfence  }
0xbf: {  	s30 =	sld [smem:$0x0];
	_ =	sdelay $0x2  }
0xc0: {  	s31 =	sshll.u32 s1, $0xD;
	s1 =	sshrl.u32 s1, $0x2  }
0xc1: {  	s3 =	sand.u32 $0x4000, s31;
	s1 =	sadd.s32 s1, s30  }
0xc2: {  	s0 =	sor.u32 s3, s0;
	s1 =	sshll.u32 s1, $0x11  }
0xc3: {  	s0 =	sor.u32 s1, s0  }
0xc4: {  	s0 =	sadd.s32 $0x8F2B, s0  }
0xc5: {  	[sflag:s0] =	ssyncadd.remote.s32 $0x1  }
0xc6: {  	_ =	sfence.sel $0xFFFF  }
0xc7: {  	[dreg:$0x0] =	wrdreg $0xFFFFFFFF;
	(pc) =	sbr.abs _section_cstart, $3  }
0xc8: {  	[dreg:$0x1] =	wrdreg $0xFFFFFFFF  }
0xc9: {  	_ =	task.clear_ibuf [dreg:s8], $0x2FFFF;
	_ =	strace $0x9FFFFFFF  }
0xca: {  	(tm) =	ssettm $0x7FFFFFFF  }
0xcb: {  	_ =	shalt  }
tec
execute0_lowered:
.L_overlay_start_1:
0x0: {  	(tag) =	ssettag $0x1  }
0x1: {  	s5 =	rddreg [dreg:$0x0]  }
0x2: {  	s1 =	rddreg [dreg:$0x1]  }
0x3: {  	s6 =	rddreg [dreg:$0x2]  }
0x4: {  	s3 =	rddreg [dreg:$0x3]  }
0x5: {  	s0 =	rddreg [dreg:$0x4];
	s7 =	srdreg.scid  }
0x6: {  	s2 =	stileid.u32;
	s4 =	simm.s32 $0x0;
	s14 =	simm.s32 $0x10  }
0x7: {  	s15 =	simm.s32 $0x2;
	s16 =	simm.s32 $0x0;
	s8 =	smul.u32 $0x14000, s2  }
0x8: {  	s7 =	sand.u32 $0x1, s7;
	[smem:$0x7FF] =	sst s4;
	s28 =	smul.u32 $0x2800, s2  }
0x9: {  	s31 =	sshll.u32 s2, $0x6;
	s13 =	smul.u32 $0x500, s2;
	s9 =	sshll.u32 s7, $0x4  }
0xa: {  	_ =	strace $0x80000047;
	s10 =	smul.u32 $0x5000, s7;
	s7 =	ssub.s32 $0x2, s7  }
0xb: {  	s8 =	sor.u32 s9, s8;
	s29 =	sshrl.u32 s7, $0x1;
	s30 =	sshrl.u32 s28, $0x3  }
0xc: {  	s9 =	sadd.s32 s28, s3;
	s8 =	sshrl.u32 s8, $0x3;
	s10 =	sadd.s32 s10, s5  }
0xd: {  	s11 =	ssub.s32 s7, s29;
	s9 =	sshrl.u32 s9, $0x3;
	s8 =	sadd.s32 s8, s5  }
0xe: {  	s5 =	sadd.s32 s6, s30;
	s6 =	sor.u32 $0x1C01, s31;
	s12 =	sadd.s32 $0x2800, s10  }
0xf: {  	s10 =	simm.s32 $0x1;
	s7 =	sadd.s32 $0xC800, s8;
	s8 =	smax.u32 s11, $0x1  }
0x10: {  	s11 =	simm.s32 $0x2800;
	s12 =	sadd.s32 s13, s12;
	s13 =	simm.s32 $0x80  }
.LBB2_1:
0x11: {  	[spmem:s9], [sflag:s6] =	dma.local [hbm:s5], $0x500  }
0x12: {  	_ =	swait.ge [sflag:s10], $0x500  }
0x13: {  	[sflag:s10] =	ssyncset.done $0x0  }
0x14: {  	[sflag:s10] =	ssyncadd.s32 $0xFFFFFB00  }
0x15: {  	[tilespmem:s11], [sflag:$0x1] =	stream.linear.gather [hbm4b:s1+s4], $0x800, $0x38;
	[tilespmem:$0x5800] =	vst v63  }
0x16: {  	_ =	swait.ge [sflag:s10], $0x800  }
0x17: {  	[sflag:s10] =	ssyncset.done $0x0  }
0x18: {  	[sflag:s10] =	ssyncadd.s32 $0xFFFFF800  }
0x19: {  	[tilespmem:s4], [sflag:$0x1] =	stream.linear.gather [hbm4b:s12+s4], $0x2800, $0x38;
	[tilespmem:$0x5800] =	vst v63  }
0x1a: {  	_ =	swait.ge [sflag:s10], $0x2800  }
0x1b: {  	[sflag:s10] =	ssyncset.done $0x0  }
0x1c: {  	[sflag:s10] =	ssyncadd.s32 $0xFFFFD800  }
0x1d: {  	s17 =	simm.s32 $0x0;
	[bflag:$0x0] =	sbarrier.arrive $0xFFFF  }
0x1e: {  	[spmem:s3] =	stream.indirect.scatter.add.f32 [tilespmem:s11], [sflag:$0x1], $0x10, s17, s13, $0xb8;
	[tilespmem:$0x5800] =	vst v63  }
0x1f: {  	_ =	swait.ge [sflag:s10], $0x800  }
0x20: {  	s17 =	simm.s32 $0x200;
	[sflag:s10] =	ssyncset.done $0x0  }
.LBB2_2:
0x21: {  	s18 =	sshra.s32 s17, $0x2;
	[sflag:s10] =	ssyncadd.s32 $0xFFFFF800;
	p0 =	sne.s32 s17, $0x9E00  }
0x22: {  	[spmem:s3] =	stream.indirect.scatter.add.f32 [tilespmem:s11], [sflag:$0x1], $0x10, s18, s13, $0xb8;
	[tilespmem:$0x5800] =	vst v63  }
.Ltmp0:
0x23: {  	_ = 	snop;
	(pc) =	sbr.rel @p0 .LBB2_2-.Ltmp0, $4  }
0x24: {  	_ = 	snop  }
0x25: {  	s17 =	sadd.s32 $0x200, s17  }
0x26: {  	_ =	swait.ge [sflag:s10], $0x800  }
0x27: {  	[sflag:s10] =	ssyncset.done $0x0  }
0x28: {  	s16 =	sadd.s32 $0x1, s16  }
0x29: {  	[sflag:s10] =	ssyncadd.s32 $0xFFFFF800;
	p0 =	sne.s32 s16, s8  }
.Ltmp1:
0x2a: {  	[bflag:$0x0] =	sbarrier.arrive $0xFFFF;
	(pc) =	sbr.rel @p0 .LBB2_1-.Ltmp1, $4  }
0x2b: {  	[hbm:s7@s14], [sflag:s6] =	dma.strided [spmem:s9@s15], $0x500, s10, $0x2   }
0x2c: {  	_ =	swait.ge [sflag:s10], $0x500  }
0x2d: {  	[sflag:s10] =	ssyncset.done $0x0  }
0x2e: {  	[sflag:s10] =	ssyncadd.s32 $0xFFFFFB00  }
0x2f: {  	_ =	sfence.sel $0x180000  }
0x30: {  	[bflag:$0x0] =	sbarrier.arrive $0xFFFF  }
0x31: {  	p0 =	sne.s32 s2, $0x0;
	_ =	strace $0x90000047  }
0x32: {  	s0 =	sadd.s32 @!p0 $0x100000, s0;
	[bflag:$0x2] =	sbarrier.arrive $0xFFFF  }
0x33: {  	[sflag:s0] =	ssyncadd.tile.s32 @!p0 $0x1;
	_ =	shalt  }
.Lfunc_end2:
_tile_overlayer_lowered:
.L_overlay_start_2:
0x34: {  	(tag) =	ssettag $0x2  }
0x35: {  	s0 =	rddreg [dreg:$0x0];
	s2 =	stileid.u32  }
0x36: {  	s1 =	rddreg [dreg:$0x1];
	p0 =	sne.s32 s2, $0x0  }
0x37: {  	s3 =	rddreg [dreg:$0x2];
	[bflag:$0x3] =	sbarrier.arrive $0xFFFF;
	s2 =	simm.s32 @!p0 $0x1C01  }
0x38: {  	[timem:s3], [sflag:s2] =	dma.local @!p0 [hbm:s0], s1  }
0x39: {  	s0 =	simm.s32 @!p0 $0x1  }
0x3a: {  	_ =	swait.ge @!p0 [sflag:s0], s1  }
0x3b: {  	s1 =	ssub.s32 @!p0 $0x0, s1;
	[sflag:s0] =	ssyncset.done @!p0 $0x0  }
0x3c: {  	[sflag:s0] =	ssyncadd.s32 @!p0 s1  }
0x3d: {  	[bflag:$0x3] =	sbarrier.arrive $0xFFFF  }
0x3e: {  	_ =	shalt  }

</sc_bundles>
